<compile_context>
chip_gen: v7x
topology: tpu7x:2x2x1
jax: 0.10.2.dev20260603
libtpu: 0.0.44.dev20260713+nightly
codegen_flags: <defaults>
</compile_context>

<pallas_src>
import functools

import jax
import jax.numpy as jnp
from jax import lax
from jax.experimental import pallas as pl
from jax.experimental.pallas import tpu as pltpu
from jax.experimental.pallas import tpu_sc as plsc

N = 10000
E = 320000
D = 128
G = 64
EPS = 1e-5

NC = 2
NS = 16
DH = D // NC
E_PER_TILE = E // NS
C = 80
NCHUNK = E_PER_TILE // C
NP = 10000
ROWS_PER_TILE = NP // NS
CW = 16
DEPTH = 3
RING = 6


@functools.lru_cache(maxsize=None)
def _get_mesh():
    return plsc.VectorSubcoreMesh(
        core_axis_name="c", subcore_axis_name="s",
        num_cores=NC, num_subcores=NS)


def _sc_agg_body(with_count, x2_hbm, src2_hbm, dst2_hbm, out_agg, out_cnt,
                 src_all, dst_all, rows, ones_v, zrows, zc, agg_sh, cnt_sh,
                 gsem, ssem, csem):
    c = lax.axis_index("c")
    s = lax.axis_index("s")

    zvec = jnp.zeros((16,), jnp.float32)

    def zrow_body(i, _):
        for j in range(DH // 16):
            zrows[i, pl.ds(j * 16, 16)] = zvec
        return 0
    lax.fori_loop(0, zrows.shape[0], zrow_body, 0)
    zchunk = zrows.shape[0]
    for k in range(ROWS_PER_TILE // zchunk):
        pltpu.sync_copy(zrows,
                        agg_sh.at[pl.ds(s * ROWS_PER_TILE + k * zchunk, zchunk)])
    if with_count:
        def zc_body(i, _):
            zc[i, :] = zvec
            return 0
        lax.fori_loop(0, ROWS_PER_TILE, zc_body, 0)
        pltpu.sync_copy(zc, cnt_sh.at[pl.ds(s * ROWS_PER_TILE, ROWS_PER_TILE)])

        ovec = jnp.ones((16,), jnp.float32)
        def ones_body(i, _):
            ones_v[i, :] = ovec
            return 0
        lax.fori_loop(0, C, ones_body, 0)

    plsc.subcore_barrier()

    pltpu.sync_copy(src2_hbm.at[pl.ds(s * NCHUNK, NCHUNK)], src_all)
    pltpu.sync_copy(dst2_hbm.at[pl.ds(s * NCHUNK, NCHUNK)], dst_all)

    depth = 2 if with_count else DEPTH
    ring = 4 if with_count else RING

    def gather_start(j):
        pltpu.async_copy(x2_hbm.at[c].at[src_all.at[j]],
                         rows.at[j % ring], gsem.at[j % ring])

    def gather_wait(j):
        pltpu.make_async_copy(x2_hbm.at[c].at[src_all.at[0]],
                              rows.at[j % ring], gsem.at[j % ring]).wait()

    def scatter_wait(j):
        pltpu.make_async_copy(rows.at[j % ring], agg_sh.at[pl.ds(0, C)],
                              ssem.at[j % ring]).wait()

    for jj in range(depth):
        gather_start(jj)

    def body(j, _):
        @pl.when(j >= ring - depth)
        def _():
            scatter_wait(j - (ring - depth))
        if with_count:
            @pl.when(jnp.logical_and(j % 2 == c, j >= 2))
            def _():
                pltpu.make_async_copy(ones_v, cnt_sh.at[pl.ds(0, C)],
                                      csem).wait()

        gather_wait(j)

        @pl.when(j + depth < NCHUNK)
        def _():
            gather_start(j + depth)

        pltpu.async_copy(rows.at[j % ring], agg_sh.at[dst_all.at[j]],
                         ssem.at[j % ring], add=True)
        if with_count:
            @pl.when(j % 2 == c)
            def _():
                pltpu.async_copy(ones_v, cnt_sh.at[dst_all.at[j]],
                                 csem, add=True)
        return 0
    lax.fori_loop(0, NCHUNK, body, 0)

    for jj in range(ring - depth):
        scatter_wait(NCHUNK - (ring - depth) + jj)
    if with_count:
        pltpu.make_async_copy(ones_v, cnt_sh.at[pl.ds(0, C)], csem).wait()

    plsc.subcore_barrier()

    r0 = s * ROWS_PER_TILE
    pltpu.sync_copy(agg_sh.at[pl.ds(r0, ROWS_PER_TILE)],
                    out_agg.at[c, pl.ds(r0, ROWS_PER_TILE)])
    if with_count:
        pltpu.sync_copy(cnt_sh.at[pl.ds(r0, ROWS_PER_TILE)],
                        out_cnt.at[c, pl.ds(r0, ROWS_PER_TILE)])


@functools.lru_cache(maxsize=None)
def _make_sc_agg(with_count):
    out_type = [jax.ShapeDtypeStruct((NC, NP, DH), jnp.float32)]
    scratch = [
        pltpu.VMEM((NCHUNK, C), jnp.int32),
        pltpu.VMEM((NCHUNK, C), jnp.int32),
        pltpu.VMEM(((4 if with_count else RING), C, DH), jnp.float32),
        pltpu.VMEM((C, CW), jnp.float32),
        pltpu.VMEM((125, DH), jnp.float32),
        pltpu.VMEM((ROWS_PER_TILE, CW), jnp.float32),
        pltpu.VMEM_SHARED((NP, DH), jnp.float32),
        pltpu.VMEM_SHARED((NP, CW), jnp.float32),
        pltpu.SemaphoreType.DMA(((4 if with_count else RING),)),
        pltpu.SemaphoreType.DMA(((4 if with_count else RING),)),
        pltpu.SemaphoreType.DMA,
    ]
    if with_count:
        out_type.append(jax.ShapeDtypeStruct((NC, NP, CW), jnp.float32))

        def body(x2_hbm, src2_hbm, dst2_hbm, out_agg, out_cnt, *scr):
            _sc_agg_body(True, x2_hbm, src2_hbm, dst2_hbm, out_agg, out_cnt,
                         *scr)
    else:
        def body(x2_hbm, src2_hbm, dst2_hbm, out_agg, *scr):
            _sc_agg_body(False, x2_hbm, src2_hbm, dst2_hbm, out_agg, None,
                         *scr)

    return pl.kernel(body, out_type=out_type, mesh=_get_mesh(),
                     scratch_types=scratch,
                     compiler_params=pltpu.CompilerParams(
                         use_tc_tiling_on_sc=False),
                     name="sc_agg_cnt" if with_count else "sc_agg")


def _tc_layer0_body(parts, cnt2, x, Wlt, bl, Wrt, g, be, outs):
    agg = jnp.concatenate([parts[0][:N], parts[1][:N]], axis=1)
    cnt = cnt2[0][:N, 0:1] + cnt2[1][:N, 0:1]
    mean = agg / jnp.maximum(cnt, 1.0)
    h = (jnp.dot(mean, Wlt[...], preferred_element_type=jnp.float32) + bl[...]
         + jnp.dot(x[...], Wrt[...], preferred_element_type=jnp.float32))
    mu = jnp.mean(h, axis=0, keepdims=True)
    var = jnp.mean((h - mu) ** 2, axis=0, keepdims=True)
    hn = (h - mu) / jnp.sqrt(var + EPS) * g[...] + be[...]
    hr = jnp.maximum(hn, 0.0)
    outs[0] = hr[:, :DH]
    outs[1] = hr[:, DH:]


def _tc_layer1_body(parts, cnt2, xs, Wlt, bl, Wrt, g, be, batch, out):
    agg = jnp.concatenate([parts[0][:N], parts[1][:N]], axis=1)
    cnt = cnt2[0][:N, 0:1] + cnt2[1][:N, 0:1]
    mean = agg / jnp.maximum(cnt, 1.0)
    x = jnp.concatenate([xs[0], xs[1]], axis=1)
    h = (jnp.dot(mean, Wlt[...], preferred_element_type=jnp.float32) + bl[...]
         + jnp.dot(x, Wrt[...], preferred_element_type=jnp.float32))
    mu = jnp.mean(h, axis=0, keepdims=True)
    var = jnp.mean((h - mu) ** 2, axis=0, keepdims=True)
    hn = (h - mu) / jnp.sqrt(var + EPS) * g[...] + be[...]
    hr = jnp.maximum(hn, 0.0)
    ids = lax.broadcasted_iota(jnp.int32, (G, N), 0)
    onehot = (batch[...] == ids).astype(jnp.float32)
    sums = jnp.dot(onehot, hr, preferred_element_type=jnp.float32)
    cg = jnp.sum(onehot, axis=1, keepdims=True)
    out[...] = sums / jnp.maximum(cg, 1.0)


_tc_layer0 = pl.pallas_call(
    _tc_layer0_body,
    out_shape=jax.ShapeDtypeStruct((NC, N, DH), jnp.float32),
    name="tc_layer0",
)

_tc_layer1 = pl.pallas_call(
    _tc_layer1_body,
    out_shape=jax.ShapeDtypeStruct((G, D), jnp.float32),
    name="tc_layer1",
)


def kernel(x, edge_index, batch, W_l0, b_l0, W_r0, g0, be0,
           W_l1, b_l1, W_r1, g1, be1):
    src2 = edge_index[0].reshape(E // C, C)
    dst2 = edge_index[1].reshape(E // C, C)
    x2 = jnp.stack([x[:, :DH], x[:, DH:]], axis=0)
    agg0, cnt = _make_sc_agg(True)(x2, src2, dst2)
    h0s = _tc_layer0(agg0, cnt, x, W_l0.T, b_l0.reshape(1, D), W_r0.T,
                     g0.reshape(1, D), be0.reshape(1, D))
    agg1, = _make_sc_agg(False)(h0s, src2, dst2)
    out = _tc_layer1(agg1, cnt, h0s, W_l1.T, b_l1.reshape(1, D), W_r1.T,
                     g1.reshape(1, D), be1.reshape(1, D),
                     batch.reshape(1, N))
    return out

# --- scband reference (transcript-rebuilt; emitter-appended) ---
"""Pipeline reference for scband-graph-encoder-5162550689834 (READ-ONLY COPY).

The authoritative reference and input builder live on the scoring server;
editing this copy changes nothing except your own understanding.
"""

import jax, jax.numpy as jnp
import numpy as np

N = 10000
E = 320000
D = 128
G = 64
EPS = 1e-5


def setup_inputs(seed: int = 0) -> dict:
    key = jax.random.key(seed)
    ks = jax.random.split(key, 16)
    x = jax.random.normal(ks[0], (N, D), dtype=jnp.float32)
    edge_index = jax.random.randint(ks[1], (2, E), 0, N, dtype=jnp.int32)
    batch = jnp.sort(jax.random.randint(ks[2], (N,), 0, G, dtype=jnp.int32))
    s = 1.0 / np.sqrt(D)
    def lin(k, shape):
        return jax.random.uniform(k, shape, minval=-s, maxval=s, dtype=jnp.float32)
    # SAGEConv layer 0: lin_l (aggregated, with bias), lin_r (root, no bias)
    W_l0 = lin(ks[3], (D, D)); b_l0 = lin(ks[4], (D,)); W_r0 = lin(ks[5], (D, D))
    # BatchNorm 0
    g0 = jnp.ones((D,), dtype=jnp.float32); be0 = jnp.zeros((D,), dtype=jnp.float32)
    # SAGEConv layer 1
    W_l1 = lin(ks[6], (D, D)); b_l1 = lin(ks[7], (D,)); W_r1 = lin(ks[8], (D, D))
    # BatchNorm 1
    g1 = jnp.ones((D,), dtype=jnp.float32); be1 = jnp.zeros((D,), dtype=jnp.float32)
    return {"x": x, "edge_index": edge_index, "batch": batch,
            "W_l0": W_l0, "b_l0": b_l0, "W_r0": W_r0, "g0": g0, "be0": be0,
            "W_l1": W_l1, "b_l1": b_l1, "W_r1": W_r1, "g1": g1, "be1": be1}


def _sage_conv(x, edge_index, W_l, b_l, W_r):
    # PyG SAGEConv with aggr='mean': out = lin_l(mean_{j in N(i)} x_j) + lin_r(x_i)
    src = edge_index[0]
    dst = edge_index[1]
    msg = jnp.take(x, src, axis=0)                      # gather [E, D]
    agg = jax.ops.segment_sum(msg, dst, num_segments=N)  # scatter-add [N, D]
    cnt = jax.ops.segment_sum(jnp.ones((msg.shape[0], 1), dtype=x.dtype), dst, num_segments=N)
    mean = agg / jnp.maximum(cnt, 1.0)
    return mean @ W_l.T + b_l + x @ W_r.T


def _batch_norm(x, g, b):
    # training-mode BatchNorm over nodes (biased variance, eps=1e-5)
    mu = jnp.mean(x, axis=0)
    var = jnp.mean((x - mu) ** 2, axis=0)
    return (x - mu) / jnp.sqrt(var + EPS) * g + b


def reference(x, edge_index, batch, W_l0, b_l0, W_r0, g0, be0, W_l1, b_l1, W_r1, g1, be1):
    h = _sage_conv(x, edge_index, W_l0, b_l0, W_r0)
    h = _batch_norm(h, g0, be0)
    h = jax.nn.relu(h)
    h = _sage_conv(h, edge_index, W_l1, b_l1, W_r1)
    h = _batch_norm(h, g1, be1)
    h = jax.nn.relu(h)
    # global_mean_pool over graph ids
    sums = jax.ops.segment_sum(h, batch, num_segments=G)
    cnts = jax.ops.segment_sum(jnp.ones((h.shape[0], 1), dtype=h.dtype), batch, num_segments=G)
    out = sums / jnp.maximum(cnts, 1.0)
    return out

if __name__ == "__main__":
    import jax
    _d = setup_inputs()
    print(jax.jit(kernel)(*tuple(_d.values())))

</pallas_src>

<mosaic_0001>
#map = affine_map<(d0, d1) -> (0, 0, 0)>
#map1 = affine_map<(d0, d1) -> (0, 0)>
module attributes {stable_mosaic.version = 14 : i64} {
  func.func @sc_agg(%arg0: i32, %arg1: i32, %arg2: memref<2x10000x64xf32, #tpu.memory_space<hbm>>, %arg3: memref<4000x80xi32, #tpu.memory_space<hbm>>, %arg4: memref<4000x80xi32, #tpu.memory_space<hbm>>, %arg5: memref<2x10000x64xf32, #tpu.memory_space<hbm>>, %arg6: memref<250x80xi32, #tpu.memory_space<vmem>>, %arg7: memref<250x80xi32, #tpu.memory_space<vmem>>, %arg8: memref<6x80x64xf32, #tpu.memory_space<vmem>>, %arg9: memref<80x16xf32, #tpu.memory_space<vmem>>, %arg10: memref<125x64xf32, #tpu.memory_space<vmem>>, %arg11: memref<625x16xf32, #tpu.memory_space<vmem>>, %arg12: memref<10000x64xf32, #tpu.memory_space<vmem_shared>>, %arg13: memref<10000x16xf32, #tpu.memory_space<vmem_shared>>, %arg14: memref<6x!tpu.dma_semaphore, #tpu.memory_space<semaphore_mem>>, %arg15: memref<6x!tpu.dma_semaphore, #tpu.memory_space<semaphore_mem>>, %arg16: memref<!tpu.dma_semaphore, #tpu.memory_space<semaphore_mem>>) attributes {dimension_semantics = [#tpu.dimension_semantics<core_parallel>, #tpu.dimension_semantics<subcore_parallel>], iteration_bounds = array<i64: 2, 16>, scalar_prefetch = 0 : i64, scratch_operands = 11 : i64, tpu.core_type = #tpu.core_type<sc_vector_subcore>, window_params = [{transform_indices = #map}, {transform_indices = #map1}, {transform_indices = #map1}, {transform_indices = #map}]} {
    %broadcast_in_dim3A = arith.constant 0.000000e+00 : f32
    %broadcast_in_dim3A_0 = vector.broadcast %broadcast_in_dim3A : f32 to vector<16xf32>
    %scan3A = arith.constant 0 : i32
    %scan3A_1 = arith.constant 0 : i32
    %scan3A_2 = arith.constant 125 : i32
    %scan3A_3 = arith.addi %scan3A_1, %scan3A_2 : i32
    %scan3A_4 = arith.constant 1 : i32
    %scan3A_5 = scf.for %scan3A_148 = %scan3A_1 to %scan3A_3 step %scan3A_4 iter_args(%scan3A_149 = %scan3A) -> (i32)  : i32 {
      %swap3A = arith.index_cast %scan3A_148 : i32 to index
      %swap3A_150 = arith.constant 0 : index
      %swap3A_151 = tpu.vector_load %arg10[%swap3A, %swap3A_150] {strides = array<i32>} : memref<125x64xf32, #tpu.memory_space<vmem>>, vector<1x16xf32>,
      %swap3A_152 = vector.shape_cast %swap3A_151 : vector<1x16xf32> to vector<16xf32>
      %swap3A_153 = vector.shape_cast %broadcast_in_dim3A_0 : vector<16xf32> to vector<1x16xf32>
      tpu.vector_store %arg10[%swap3A, %swap3A_150], %swap3A_153 {strides = array<i32>} : memref<125x64xf32, #tpu.memory_space<vmem>>, vector<1x16xf32>,
      %swap3A_154 = arith.index_cast %scan3A_148 : i32 to index
      %swap3A_155 = arith.constant 16 : index
      %swap3A_156 = tpu.vector_load %arg10[%swap3A_154, %swap3A_155] {strides = array<i32>} : memref<125x64xf32, #tpu.memory_space<vmem>>, vector<1x16xf32>,
      %swap3A_157 = vector.shape_cast %swap3A_156 : vector<1x16xf32> to vector<16xf32>
      %swap3A_158 = vector.shape_cast %broadcast_in_dim3A_0 : vector<16xf32> to vector<1x16xf32>
      tpu.vector_store %arg10[%swap3A_154, %swap3A_155], %swap3A_158 {strides = array<i32>} : memref<125x64xf32, #tpu.memory_space<vmem>>, vector<1x16xf32>,
      %swap3A_159 = arith.index_cast %scan3A_148 : i32 to index
      %swap3A_160 = arith.constant 32 : index
      %swap3A_161 = tpu.vector_load %arg10[%swap3A_159, %swap3A_160] {strides = array<i32>} : memref<125x64xf32, #tpu.memory_space<vmem>>, vector<1x16xf32>,
      %swap3A_162 = vector.shape_cast %swap3A_161 : vector<1x16xf32> to vector<16xf32>
      %swap3A_163 = vector.shape_cast %broadcast_in_dim3A_0 : vector<16xf32> to vector<1x16xf32>
      tpu.vector_store %arg10[%swap3A_159, %swap3A_160], %swap3A_163 {strides = array<i32>} : memref<125x64xf32, #tpu.memory_space<vmem>>, vector<1x16xf32>,
      %swap3A_164 = arith.index_cast %scan3A_148 : i32 to index
      %swap3A_165 = arith.constant 48 : index
      %swap3A_166 = tpu.vector_load %arg10[%swap3A_164, %swap3A_165] {strides = array<i32>} : memref<125x64xf32, #tpu.memory_space<vmem>>, vector<1x16xf32>,
      %swap3A_167 = vector.shape_cast %swap3A_166 : vector<1x16xf32> to vector<16xf32>
      %swap3A_168 = vector.shape_cast %broadcast_in_dim3A_0 : vector<16xf32> to vector<1x16xf32>
      tpu.vector_store %arg10[%swap3A_164, %swap3A_165], %swap3A_168 {strides = array<i32>} : memref<125x64xf32, #tpu.memory_space<vmem>>, vector<1x16xf32>,
      %scan3A_169 = arith.constant 0 : i32
      scf.yield %scan3A_169 : i32
    }
    %scan3A_6 = arith.constant 125 : i32
    %mul3A = arith.constant 625 : i32
    %mul3A_7 = arith.muli %arg1, %mul3A : i32
    %add3A = arith.constant 0 : i32
    %add3A_8 = arith.addi %mul3A_7, %add3A : i32
    "tpu.region"() ({
      %run_scoped3A = tpu.sem_alloc : memref<!tpu.dma_semaphore, #tpu.memory_space<semaphore_mem>>
      %dma_start3A_148 = arith.constant 0 : i32
      %dma_start3A_149 = tpu.memref_slice %arg12[%add3A_8, %dma_start3A_148] : memref<10000x64xf32, #tpu.memory_space<vmem_shared>> -> memref<125x64xf32, #tpu.memory_space<vmem_shared>>
      %dma_start3A_150 = arith.constant 0 : i32
      %dma_start3A_151 = tpu.memref_slice %arg12[%add3A_8, %dma_start3A_150] : memref<10000x64xf32, #tpu.memory_space<vmem_shared>> -> memref<125x64xf32, #tpu.memory_space<vmem_shared>>
      tpu.enqueue_dma source(%arg10 : memref<125x64xf32, #tpu.memory_space<vmem>>) target(%dma_start3A_151 : memref<125x64xf32, #tpu.memory_space<vmem_shared>>) target_semaphore(%run_scoped3A : memref<!tpu.dma_semaphore, #tpu.memory_space<semaphore_mem>>)
      %dma_wait3A_152 = arith.constant 0 : i32
      %dma_wait3A_153 = tpu.memref_slice %arg12[%add3A_8, %dma_wait3A_152] : memref<10000x64xf32, #tpu.memory_space<vmem_shared>> -> memref<125x64xf32, #tpu.memory_space<vmem_shared>>
      %dma_wait3A_154 = arith.constant 0 : i32
      %dma_wait3A_155 = tpu.memref_slice %arg12[%add3A_8, %dma_wait3A_154] : memref<10000x64xf32, #tpu.memory_space<vmem_shared>> -> memref<125x64xf32, #tpu.memory_space<vmem_shared>>
      tpu.wait_dma2 semaphore(%run_scoped3A : memref<!tpu.dma_semaphore, #tpu.memory_space<semaphore_mem>>) src(%arg10 : memref<125x64xf32, #tpu.memory_space<vmem>>) dst(%dma_wait3A_155 : memref<125x64xf32, #tpu.memory_space<vmem_shared>>)
      tpu.yield
    }) : () -> ()
    %mul3A_9 = arith.constant 625 : i32
    %mul3A_10 = arith.muli %arg1, %mul3A_9 : i32
    %add3A_11 = arith.constant 125 : i32
    %add3A_12 = arith.addi %mul3A_10, %add3A_11 : i32
    "tpu.region"() ({
      %run_scoped3A = tpu.sem_alloc : memref<!tpu.dma_semaphore, #tpu.memory_space<semaphore_mem>>
      %dma_start3A_148 = arith.constant 0 : i32
      %dma_start3A_149 = tpu.memref_slice %arg12[%add3A_12, %dma_start3A_148] : memref<10000x64xf32, #tpu.memory_space<vmem_shared>> -> memref<125x64xf32, #tpu.memory_space<vmem_shared>>
      %dma_start3A_150 = arith.constant 0 : i32
      %dma_start3A_151 = tpu.memref_slice %arg12[%add3A_12, %dma_start3A_150] : memref<10000x64xf32, #tpu.memory_space<vmem_shared>> -> memref<125x64xf32, #tpu.memory_space<vmem_shared>>
      tpu.enqueue_dma source(%arg10 : memref<125x64xf32, #tpu.memory_space<vmem>>) target(%dma_start3A_151 : memref<125x64xf32, #tpu.memory_space<vmem_shared>>) target_semaphore(%run_scoped3A : memref<!tpu.dma_semaphore, #tpu.memory_space<semaphore_mem>>)
      %dma_wait3A_152 = arith.constant 0 : i32
      %dma_wait3A_153 = tpu.memref_slice %arg12[%add3A_12, %dma_wait3A_152] : memref<10000x64xf32, #tpu.memory_space<vmem_shared>> -> memref<125x64xf32, #tpu.memory_space<vmem_shared>>
      %dma_wait3A_154 = arith.constant 0 : i32
      %dma_wait3A_155 = tpu.memref_slice %arg12[%add3A_12, %dma_wait3A_154] : memref<10000x64xf32, #tpu.memory_space<vmem_shared>> -> memref<125x64xf32, #tpu.memory_space<vmem_shared>>
      tpu.wait_dma2 semaphore(%run_scoped3A : memref<!tpu.dma_semaphore, #tpu.memory_space<semaphore_mem>>) src(%arg10 : memref<125x64xf32, #tpu.memory_space<vmem>>) dst(%dma_wait3A_155 : memref<125x64xf32, #tpu.memory_space<vmem_shared>>)
      tpu.yield
    }) : () -> ()
    %mul3A_13 = arith.constant 625 : i32
    %mul3A_14 = arith.muli %arg1, %mul3A_13 : i32
    %add3A_15 = arith.constant 250 : i32
    %add3A_16 = arith.addi %mul3A_14, %add3A_15 : i32
    "tpu.region"() ({
      %run_scoped3A = tpu.sem_alloc : memref<!tpu.dma_semaphore, #tpu.memory_space<semaphore_mem>>
      %dma_start3A_148 = arith.constant 0 : i32
      %dma_start3A_149 = tpu.memref_slice %arg12[%add3A_16, %dma_start3A_148] : memref<10000x64xf32, #tpu.memory_space<vmem_shared>> -> memref<125x64xf32, #tpu.memory_space<vmem_shared>>
      %dma_start3A_150 = arith.constant 0 : i32
      %dma_start3A_151 = tpu.memref_slice %arg12[%add3A_16, %dma_start3A_150] : memref<10000x64xf32, #tpu.memory_space<vmem_shared>> -> memref<125x64xf32, #tpu.memory_space<vmem_shared>>
      tpu.enqueue_dma source(%arg10 : memref<125x64xf32, #tpu.memory_space<vmem>>) target(%dma_start3A_151 : memref<125x64xf32, #tpu.memory_space<vmem_shared>>) target_semaphore(%run_scoped3A : memref<!tpu.dma_semaphore, #tpu.memory_space<semaphore_mem>>)
      %dma_wait3A_152 = arith.constant 0 : i32
      %dma_wait3A_153 = tpu.memref_slice %arg12[%add3A_16, %dma_wait3A_152] : memref<10000x64xf32, #tpu.memory_space<vmem_shared>> -> memref<125x64xf32, #tpu.memory_space<vmem_shared>>
      %dma_wait3A_154 = arith.constant 0 : i32
      %dma_wait3A_155 = tpu.memref_slice %arg12[%add3A_16, %dma_wait3A_154] : memref<10000x64xf32, #tpu.memory_space<vmem_shared>> -> memref<125x64xf32, #tpu.memory_space<vmem_shared>>
      tpu.wait_dma2 semaphore(%run_scoped3A : memref<!tpu.dma_semaphore, #tpu.memory_space<semaphore_mem>>) src(%arg10 : memref<125x64xf32, #tpu.memory_space<vmem>>) dst(%dma_wait3A_155 : memref<125x64xf32, #tpu.memory_space<vmem_shared>>)
      tpu.yield
    }) : () -> ()
    %mul3A_17 = arith.constant 625 : i32
    %mul3A_18 = arith.muli %arg1, %mul3A_17 : i32
    %add3A_19 = arith.constant 375 : i32
    %add3A_20 = arith.addi %mul3A_18, %add3A_19 : i32
    "tpu.region"() ({
      %run_scoped3A = tpu.sem_alloc : memref<!tpu.dma_semaphore, #tpu.memory_space<semaphore_mem>>
      %dma_start3A_148 = arith.constant 0 : i32
      %dma_start3A_149 = tpu.memref_slice %arg12[%add3A_20, %dma_start3A_148] : memref<10000x64xf32, #tpu.memory_space<vmem_shared>> -> memref<125x64xf32, #tpu.memory_space<vmem_shared>>
      %dma_start3A_150 = arith.constant 0 : i32
      %dma_start3A_151 = tpu.memref_slice %arg12[%add3A_20, %dma_start3A_150] : memref<10000x64xf32, #tpu.memory_space<vmem_shared>> -> memref<125x64xf32, #tpu.memory_space<vmem_shared>>
      tpu.enqueue_dma source(%arg10 : memref<125x64xf32, #tpu.memory_space<vmem>>) target(%dma_start3A_151 : memref<125x64xf32, #tpu.memory_space<vmem_shared>>) target_semaphore(%run_scoped3A : memref<!tpu.dma_semaphore, #tpu.memory_space<semaphore_mem>>)
      %dma_wait3A_152 = arith.constant 0 : i32
      %dma_wait3A_153 = tpu.memref_slice %arg12[%add3A_20, %dma_wait3A_152] : memref<10000x64xf32, #tpu.memory_space<vmem_shared>> -> memref<125x64xf32, #tpu.memory_space<vmem_shared>>
      %dma_wait3A_154 = arith.constant 0 : i32
      %dma_wait3A_155 = tpu.memref_slice %arg12[%add3A_20, %dma_wait3A_154] : memref<10000x64xf32, #tpu.memory_space<vmem_shared>> -> memref<125x64xf32, #tpu.memory_space<vmem_shared>>
      tpu.wait_dma2 semaphore(%run_scoped3A : memref<!tpu.dma_semaphore, #tpu.memory_space<semaphore_mem>>) src(%arg10 : memref<125x64xf32, #tpu.memory_space<vmem>>) dst(%dma_wait3A_155 : memref<125x64xf32, #tpu.memory_space<vmem_shared>>)
      tpu.yield
    }) : () -> ()
    %mul3A_21 = arith.constant 625 : i32
    %mul3A_22 = arith.muli %arg1, %mul3A_21 : i32
    %add3A_23 = arith.constant 500 : i32
    %add3A_24 = arith.addi %mul3A_22, %add3A_23 : i32
    "tpu.region"() ({
      %run_scoped3A = tpu.sem_alloc : memref<!tpu.dma_semaphore, #tpu.memory_space<semaphore_mem>>
      %dma_start3A_148 = arith.constant 0 : i32
      %dma_start3A_149 = tpu.memref_slice %arg12[%add3A_24, %dma_start3A_148] : memref<10000x64xf32, #tpu.memory_space<vmem_shared>> -> memref<125x64xf32, #tpu.memory_space<vmem_shared>>
      %dma_start3A_150 = arith.constant 0 : i32
      %dma_start3A_151 = tpu.memref_slice %arg12[%add3A_24, %dma_start3A_150] : memref<10000x64xf32, #tpu.memory_space<vmem_shared>> -> memref<125x64xf32, #tpu.memory_space<vmem_shared>>
      tpu.enqueue_dma source(%arg10 : memref<125x64xf32, #tpu.memory_space<vmem>>) target(%dma_start3A_151 : memref<125x64xf32, #tpu.memory_space<vmem_shared>>) target_semaphore(%run_scoped3A : memref<!tpu.dma_semaphore, #tpu.memory_space<semaphore_mem>>)
      %dma_wait3A_152 = arith.constant 0 : i32
      %dma_wait3A_153 = tpu.memref_slice %arg12[%add3A_24, %dma_wait3A_152] : memref<10000x64xf32, #tpu.memory_space<vmem_shared>> -> memref<125x64xf32, #tpu.memory_space<vmem_shared>>
      %dma_wait3A_154 = arith.constant 0 : i32
      %dma_wait3A_155 = tpu.memref_slice %arg12[%add3A_24, %dma_wait3A_154] : memref<10000x64xf32, #tpu.memory_space<vmem_shared>> -> memref<125x64xf32, #tpu.memory_space<vmem_shared>>
      tpu.wait_dma2 semaphore(%run_scoped3A : memref<!tpu.dma_semaphore, #tpu.memory_space<semaphore_mem>>) src(%arg10 : memref<125x64xf32, #tpu.memory_space<vmem>>) dst(%dma_wait3A_155 : memref<125x64xf32, #tpu.memory_space<vmem_shared>>)
      tpu.yield
    }) : () -> ()
    %barrier3A = arith.constant 0 : index
    tpu.barrier barrier_id(%barrier3A)
    %mul3A_25 = arith.constant 250 : i32
    %mul3A_26 = arith.muli %arg1, %mul3A_25 : i32
    "tpu.region"() ({
      %run_scoped3A = tpu.sem_alloc : memref<!tpu.dma_semaphore, #tpu.memory_space<semaphore_mem>>
      %dma_start3A_148 = arith.constant 0 : i32
      %dma_start3A_149 = tpu.memref_slice %arg3[%mul3A_26, %dma_start3A_148] : memref<4000x80xi32, #tpu.memory_space<hbm>> -> memref<250x80xi32, #tpu.memory_space<hbm>>
      %dma_start3A_150 = arith.constant 0 : i32
      %dma_start3A_151 = tpu.memref_slice %arg3[%mul3A_26, %dma_start3A_150] : memref<4000x80xi32, #tpu.memory_space<hbm>> -> memref<250x80xi32, #tpu.memory_space<hbm>>
      tpu.enqueue_dma source(%dma_start3A_151 : memref<250x80xi32, #tpu.memory_space<hbm>>) target(%arg6 : memref<250x80xi32, #tpu.memory_space<vmem>>) target_semaphore(%run_scoped3A : memref<!tpu.dma_semaphore, #tpu.memory_space<semaphore_mem>>)
      %dma_wait3A_152 = arith.constant 0 : i32
      %dma_wait3A_153 = tpu.memref_slice %arg3[%mul3A_26, %dma_wait3A_152] : memref<4000x80xi32, #tpu.memory_space<hbm>> -> memref<250x80xi32, #tpu.memory_space<hbm>>
      %dma_wait3A_154 = arith.constant 0 : i32
      %dma_wait3A_155 = tpu.memref_slice %arg3[%mul3A_26, %dma_wait3A_154] : memref<4000x80xi32, #tpu.memory_space<hbm>> -> memref<250x80xi32, #tpu.memory_space<hbm>>
      tpu.wait_dma2 semaphore(%run_scoped3A : memref<!tpu.dma_semaphore, #tpu.memory_space<semaphore_mem>>) src(%dma_wait3A_155 : memref<250x80xi32, #tpu.memory_space<hbm>>) dst(%arg6 : memref<250x80xi32, #tpu.memory_space<vmem>>)
      tpu.yield
    }) : () -> ()
    %mul3A_27 = arith.constant 250 : i32
    %mul3A_28 = arith.muli %arg1, %mul3A_27 : i32
    "tpu.region"() ({
      %run_scoped3A = tpu.sem_alloc : memref<!tpu.dma_semaphore, #tpu.memory_space<semaphore_mem>>
      %dma_start3A_148 = arith.constant 0 : i32
      %dma_start3A_149 = tpu.memref_slice %arg4[%mul3A_28, %dma_start3A_148] : memref<4000x80xi32, #tpu.memory_space<hbm>> -> memref<250x80xi32, #tpu.memory_space<hbm>>
      %dma_start3A_150 = arith.constant 0 : i32
      %dma_start3A_151 = tpu.memref_slice %arg4[%mul3A_28, %dma_start3A_150] : memref<4000x80xi32, #tpu.memory_space<hbm>> -> memref<250x80xi32, #tpu.memory_space<hbm>>
      tpu.enqueue_dma source(%dma_start3A_151 : memref<250x80xi32, #tpu.memory_space<hbm>>) target(%arg7 : memref<250x80xi32, #tpu.memory_space<vmem>>) target_semaphore(%run_scoped3A : memref<!tpu.dma_semaphore, #tpu.memory_space<semaphore_mem>>)
      %dma_wait3A_152 = arith.constant 0 : i32
      %dma_wait3A_153 = tpu.memref_slice %arg4[%mul3A_28, %dma_wait3A_152] : memref<4000x80xi32, #tpu.memory_space<hbm>> -> memref<250x80xi32, #tpu.memory_space<hbm>>
      %dma_wait3A_154 = arith.constant 0 : i32
      %dma_wait3A_155 = tpu.memref_slice %arg4[%mul3A_28, %dma_wait3A_154] : memref<4000x80xi32, #tpu.memory_space<hbm>> -> memref<250x80xi32, #tpu.memory_space<hbm>>
      tpu.wait_dma2 semaphore(%run_scoped3A : memref<!tpu.dma_semaphore, #tpu.memory_space<semaphore_mem>>) src(%dma_wait3A_155 : memref<250x80xi32, #tpu.memory_space<hbm>>) dst(%arg7 : memref<250x80xi32, #tpu.memory_space<vmem>>)
      tpu.yield
    }) : () -> ()
    %dma_start3A = arith.constant 0 : i32
    %dma_start3A_29 = arith.constant 0 : i32
    %dma_start3A_30 = arith.constant 0 : i32
    %dma_start3A_31 = arith.constant 0 : i32
    %dma_start3A_32 = arith.constant 0 : i32
    %dma_start3A_33 = tpu.memref_slice %arg8[%dma_start3A_29, %dma_start3A_31, %dma_start3A_32] : memref<6x80x64xf32, #tpu.memory_space<vmem>> -> memref<1x80x64xf32, #tpu.memory_space<vmem>>
    %dma_start3A_34 = tpu.memref_squeeze %dma_start3A_33 : memref<1x80x64xf32, #tpu.memory_space<vmem>> -> memref<80x64xf32, #tpu.memory_space<vmem>>
    %dma_start3A_35 = arith.constant 0 : i32
    %dma_start3A_36 = tpu.memref_slice %arg6[%dma_start3A, %dma_start3A_35] : memref<250x80xi32, #tpu.memory_space<vmem>> -> memref<1x80xi32, #tpu.memory_space<vmem>>
    %dma_start3A_37 = tpu.memref_squeeze %dma_start3A_36 : memref<1x80xi32, #tpu.memory_space<vmem>> -> memref<80xi32, #tpu.memory_space<vmem>>
    %dma_start3A_38 = arith.constant 0 : i32
    %dma_start3A_39 = arith.constant 0 : i32
    %dma_start3A_40 = tpu.memref_slice %arg2[%arg0, %dma_start3A_38, %dma_start3A_39] : memref<2x10000x64xf32, #tpu.memory_space<hbm>> -> memref<1x10000x64xf32, #tpu.memory_space<hbm>>
    %dma_start3A_41 = tpu.memref_squeeze %dma_start3A_40 : memref<1x10000x64xf32, #tpu.memory_space<hbm>> -> memref<10000x64xf32, #tpu.memory_space<hbm>>
    %dma_start3A_42 = arith.constant 0 : i32
    %dma_start3A_43 = arith.constant 0 : i32
    %dma_start3A_44 = tpu.memref_slice %dma_start3A_41[%dma_start3A_42, %dma_start3A_43] : memref<10000x64xf32, #tpu.memory_space<hbm>> -> memref<10000x64xf32, #tpu.memory_space<hbm>>
    %dma_start3A_45 = tpu.memref_slice %arg14[%dma_start3A_30] : memref<6x!tpu.dma_semaphore, #tpu.memory_space<semaphore_mem>> -> memref<1x!tpu.dma_semaphore, #tpu.memory_space<semaphore_mem>>
    %dma_start3A_46 = tpu.memref_squeeze %dma_start3A_45 : memref<1x!tpu.dma_semaphore, #tpu.memory_space<semaphore_mem>> -> memref<!tpu.dma_semaphore, #tpu.memory_space<semaphore_mem>>
    tpu.enqueue_indirect_dma source(%dma_start3A_44 : memref<10000x64xf32, #tpu.memory_space<hbm>>) target(%dma_start3A_34 : memref<80x64xf32, #tpu.memory_space<vmem>>) offsets(%dma_start3A_37 : memref<80xi32, #tpu.memory_space<vmem>>) semaphore(%dma_start3A_46 : memref<!tpu.dma_semaphore, #tpu.memory_space<semaphore_mem>>)
    %dma_start3A_47 = arith.constant 1 : i32
    %dma_start3A_48 = arith.constant 1 : i32
    %dma_start3A_49 = arith.constant 1 : i32
    %dma_start3A_50 = arith.constant 0 : i32
    %dma_start3A_51 = arith.constant 0 : i32
    %dma_start3A_52 = tpu.memref_slice %arg8[%dma_start3A_48, %dma_start3A_50, %dma_start3A_51] : memref<6x80x64xf32, #tpu.memory_space<vmem>> -> memref<1x80x64xf32, #tpu.memory_space<vmem>>
    %dma_start3A_53 = tpu.memref_squeeze %dma_start3A_52 : memref<1x80x64xf32, #tpu.memory_space<vmem>> -> memref<80x64xf32, #tpu.memory_space<vmem>>
    %dma_start3A_54 = arith.constant 0 : i32
    %dma_start3A_55 = tpu.memref_slice %arg6[%dma_start3A_47, %dma_start3A_54] : memref<250x80xi32, #tpu.memory_space<vmem>> -> memref<1x80xi32, #tpu.memory_space<vmem>>
    %dma_start3A_56 = tpu.memref_squeeze %dma_start3A_55 : memref<1x80xi32, #tpu.memory_space<vmem>> -> memref<80xi32, #tpu.memory_space<vmem>>
    %dma_start3A_57 = arith.constant 0 : i32
    %dma_start3A_58 = arith.constant 0 : i32
    %dma_start3A_59 = tpu.memref_slice %arg2[%arg0, %dma_start3A_57, %dma_start3A_58] : memref<2x10000x64xf32, #tpu.memory_space<hbm>> -> memref<1x10000x64xf32, #tpu.memory_space<hbm>>
    %dma_start3A_60 = tpu.memref_squeeze %dma_start3A_59 : memref<1x10000x64xf32, #tpu.memory_space<hbm>> -> memref<10000x64xf32, #tpu.memory_space<hbm>>
    %dma_start3A_61 = arith.constant 0 : i32
    %dma_start3A_62 = arith.constant 0 : i32
    %dma_start3A_63 = tpu.memref_slice %dma_start3A_60[%dma_start3A_61, %dma_start3A_62] : memref<10000x64xf32, #tpu.memory_space<hbm>> -> memref<10000x64xf32, #tpu.memory_space<hbm>>
    %dma_start3A_64 = tpu.memref_slice %arg14[%dma_start3A_49] : memref<6x!tpu.dma_semaphore, #tpu.memory_space<semaphore_mem>> -> memref<1x!tpu.dma_semaphore, #tpu.memory_space<semaphore_mem>>
    %dma_start3A_65 = tpu.memref_squeeze %dma_start3A_64 : memref<1x!tpu.dma_semaphore, #tpu.memory_space<semaphore_mem>> -> memref<!tpu.dma_semaphore, #tpu.memory_space<semaphore_mem>>
    tpu.enqueue_indirect_dma source(%dma_start3A_63 : memref<10000x64xf32, #tpu.memory_space<hbm>>) target(%dma_start3A_53 : memref<80x64xf32, #tpu.memory_space<vmem>>) offsets(%dma_start3A_56 : memref<80xi32, #tpu.memory_space<vmem>>) semaphore(%dma_start3A_65 : memref<!tpu.dma_semaphore, #tpu.memory_space<semaphore_mem>>)
    %dma_start3A_66 = arith.constant 2 : i32
    %dma_start3A_67 = arith.constant 2 : i32
    %dma_start3A_68 = arith.constant 2 : i32
    %dma_start3A_69 = arith.constant 0 : i32
    %dma_start3A_70 = arith.constant 0 : i32
    %dma_start3A_71 = tpu.memref_slice %arg8[%dma_start3A_67, %dma_start3A_69, %dma_start3A_70] : memref<6x80x64xf32, #tpu.memory_space<vmem>> -> memref<1x80x64xf32, #tpu.memory_space<vmem>>
    %dma_start3A_72 = tpu.memref_squeeze %dma_start3A_71 : memref<1x80x64xf32, #tpu.memory_space<vmem>> -> memref<80x64xf32, #tpu.memory_space<vmem>>
    %dma_start3A_73 = arith.constant 0 : i32
    %dma_start3A_74 = tpu.memref_slice %arg6[%dma_start3A_66, %dma_start3A_73] : memref<250x80xi32, #tpu.memory_space<vmem>> -> memref<1x80xi32, #tpu.memory_space<vmem>>
    %dma_start3A_75 = tpu.memref_squeeze %dma_start3A_74 : memref<1x80xi32, #tpu.memory_space<vmem>> -> memref<80xi32, #tpu.memory_space<vmem>>
    %dma_start3A_76 = arith.constant 0 : i32
    %dma_start3A_77 = arith.constant 0 : i32
    %dma_start3A_78 = tpu.memref_slice %arg2[%arg0, %dma_start3A_76, %dma_start3A_77] : memref<2x10000x64xf32, #tpu.memory_space<hbm>> -> memref<1x10000x64xf32, #tpu.memory_space<hbm>>
    %dma_start3A_79 = tpu.memref_squeeze %dma_start3A_78 : memref<1x10000x64xf32, #tpu.memory_space<hbm>> -> memref<10000x64xf32, #tpu.memory_space<hbm>>
    %dma_start3A_80 = arith.constant 0 : i32
    %dma_start3A_81 = arith.constant 0 : i32
    %dma_start3A_82 = tpu.memref_slice %dma_start3A_79[%dma_start3A_80, %dma_start3A_81] : memref<10000x64xf32, #tpu.memory_space<hbm>> -> memref<10000x64xf32, #tpu.memory_space<hbm>>
    %dma_start3A_83 = tpu.memref_slice %arg14[%dma_start3A_68] : memref<6x!tpu.dma_semaphore, #tpu.memory_space<semaphore_mem>> -> memref<1x!tpu.dma_semaphore, #tpu.memory_space<semaphore_mem>>
    %dma_start3A_84 = tpu.memref_squeeze %dma_start3A_83 : memref<1x!tpu.dma_semaphore, #tpu.memory_space<semaphore_mem>> -> memref<!tpu.dma_semaphore, #tpu.memory_space<semaphore_mem>>
    tpu.enqueue_indirect_dma source(%dma_start3A_82 : memref<10000x64xf32, #tpu.memory_space<hbm>>) target(%dma_start3A_72 : memref<80x64xf32, #tpu.memory_space<vmem>>) offsets(%dma_start3A_75 : memref<80xi32, #tpu.memory_space<vmem>>) semaphore(%dma_start3A_84 : memref<!tpu.dma_semaphore, #tpu.memory_space<semaphore_mem>>)
    %scan3A_85 = arith.constant 0 : i32
    %scan3A_86 = arith.constant 0 : i32
    %scan3A_87 = arith.constant 250 : i32
    %scan3A_88 = arith.addi %scan3A_86, %scan3A_87 : i32
    %scan3A_89 = arith.constant 1 : i32
    %scan3A_90 = scf.for %scan3A_148 = %scan3A_86 to %scan3A_88 step %scan3A_89 iter_args(%scan3A_149 = %scan3A_85) -> (i32)  : i32 {
      %ge3A = arith.constant 3 : i32
      %ge3A_150 = arith.cmpi sge, %scan3A_148, %ge3A : i32
      %convert_element_type3A = arith.extui %ge3A_150 : i1 to i32
      %cond3A = arith.constant 0 : i32
      %cond3A_151 = arith.cmpi ne, %convert_element_type3A, %cond3A : i32
      scf.if %cond3A_151 {
        %sub3A = arith.constant 3 : i32
        %sub3A_246 = arith.subi %scan3A_148, %sub3A : i32
        %jit3A_247 = arith.constant 6 : i32
        %eq3A_248 = arith.constant 0 : i32
        %eq3A_249 = arith.cmpi eq, %jit3A_247, %eq3A_248 : i32
        %jit3A_250 = arith.constant 1 : i32
        %select_n3A_251 = arith.select %eq3A_249, %jit3A_250, %jit3A_247 : i32
        %rem3A_252 = arith.remsi %sub3A_246, %select_n3A_251 : i32
        %ne3A_253 = arith.constant 0 : i32
        %ne3A_254 = arith.cmpi ne, %rem3A_252, %ne3A_253 : i32
        %lt3A_255 = arith.constant 0 : i32
        %lt3A_256 = arith.cmpi slt, %rem3A_252, %lt3A_255 : i32
        %lt3A_257 = arith.constant 0 : i32
        %lt3A_258 = arith.cmpi slt, %select_n3A_251, %lt3A_257 : i32
        %ne3A_259 = arith.xori %lt3A_256, %lt3A_258 : i1
        %and3A_260 = arith.andi %ne3A_259, %ne3A_254 : i1
        %add3A_261 = arith.addi %rem3A_252, %select_n3A_251 : i32
        %select_n3A_262 = arith.select %and3A_260, %add3A_261, %rem3A_252 : i32
        %jit3A_263 = arith.constant 6 : i32
        %eq3A_264 = arith.constant 0 : i32
        %eq3A_265 = arith.cmpi eq, %jit3A_263, %eq3A_264 : i32
        %jit3A_266 = arith.constant 1 : i32
        %select_n3A_267 = arith.select %eq3A_265, %jit3A_266, %jit3A_263 : i32
        %rem3A_268 = arith.remsi %sub3A_246, %select_n3A_267 : i32
        %ne3A_269 = arith.constant 0 : i32
        %ne3A_270 = arith.cmpi ne, %rem3A_268, %ne3A_269 : i32
        %lt3A_271 = arith.constant 0 : i32
        %lt3A_272 = arith.cmpi slt, %rem3A_268, %lt3A_271 : i32
        %lt3A_273 = arith.constant 0 : i32
        %lt3A_274 = arith.cmpi slt, %select_n3A_267, %lt3A_273 : i32
        %ne3A_275 = arith.xori %lt3A_272, %lt3A_274 : i1
        %and3A_276 = arith.andi %ne3A_275, %ne3A_270 : i1
        %add3A_277 = arith.addi %rem3A_268, %select_n3A_267 : i32
        %select_n3A_278 = arith.select %and3A_276, %add3A_277, %rem3A_268 : i32
        %dma_wait3A_279 = arith.constant 0 : i32
        %dma_wait3A_280 = arith.constant 0 : i32
        %dma_wait3A_281 = tpu.memref_slice %arg8[%select_n3A_262, %dma_wait3A_279, %dma_wait3A_280] : memref<6x80x64xf32, #tpu.memory_space<vmem>> -> memref<1x80x64xf32, #tpu.memory_space<vmem>>
        %dma_wait3A_282 = tpu.memref_squeeze %dma_wait3A_281 : memref<1x80x64xf32, #tpu.memory_space<vmem>> -> memref<80x64xf32, #tpu.memory_space<vmem>>
        %dma_wait3A_283 = arith.constant 0 : i32
        %dma_wait3A_284 = arith.constant 0 : i32
        %dma_wait3A_285 = tpu.memref_slice %arg12[%dma_wait3A_283, %dma_wait3A_284] : memref<10000x64xf32, #tpu.memory_space<vmem_shared>> -> memref<80x64xf32, #tpu.memory_space<vmem_shared>>
        %dma_wait3A_286 = tpu.memref_slice %arg15[%select_n3A_278] : memref<6x!tpu.dma_semaphore, #tpu.memory_space<semaphore_mem>> -> memref<1x!tpu.dma_semaphore, #tpu.memory_space<semaphore_mem>>
        %dma_wait3A_287 = tpu.memref_squeeze %dma_wait3A_286 : memref<1x!tpu.dma_semaphore, #tpu.memory_space<semaphore_mem>> -> memref<!tpu.dma_semaphore, #tpu.memory_space<semaphore_mem>>
        %dma_wait3A_288 = arith.constant 0 : i32
        %dma_wait3A_289 = arith.constant 0 : i32
        %dma_wait3A_290 = tpu.memref_slice %arg12[%dma_wait3A_288, %dma_wait3A_289] : memref<10000x64xf32, #tpu.memory_space<vmem_shared>> -> memref<80x64xf32, #tpu.memory_space<vmem_shared>>
        %dma_wait3A_291 = arith.constant 0 : i32
        %dma_wait3A_292 = arith.constant 0 : i32
        %dma_wait3A_293 = tpu.memref_slice %arg8[%select_n3A_262, %dma_wait3A_291, %dma_wait3A_292] : memref<6x80x64xf32, #tpu.memory_space<vmem>> -> memref<1x80x64xf32, #tpu.memory_space<vmem>>
        %dma_wait3A_294 = tpu.memref_squeeze %dma_wait3A_293 : memref<1x80x64xf32, #tpu.memory_space<vmem>> -> memref<80x64xf32, #tpu.memory_space<vmem>>
        tpu.wait_dma2 semaphore(%dma_wait3A_287 : memref<!tpu.dma_semaphore, #tpu.memory_space<semaphore_mem>>) src(%dma_wait3A_294 : memref<80x64xf32, #tpu.memory_space<vmem>>) dst(%dma_wait3A_290 : memref<80x64xf32, #tpu.memory_space<vmem_shared>>)
      } else {
      }
      %jit3A = arith.constant 6 : i32
      %eq3A = arith.constant 0 : i32
      %eq3A_152 = arith.cmpi eq, %jit3A, %eq3A : i32
      %jit3A_153 = arith.constant 1 : i32
      %select_n3A = arith.select %eq3A_152, %jit3A_153, %jit3A : i32
      %rem3A = arith.remsi %scan3A_148, %select_n3A : i32
      %ne3A = arith.constant 0 : i32
      %ne3A_154 = arith.cmpi ne, %rem3A, %ne3A : i32
      %lt3A = arith.constant 0 : i32
      %lt3A_155 = arith.cmpi slt, %rem3A, %lt3A : i32
      %lt3A_156 = arith.constant 0 : i32
      %lt3A_157 = arith.cmpi slt, %select_n3A, %lt3A_156 : i32
      %ne3A_158 = arith.xori %lt3A_155, %lt3A_157 : i1
      %and3A = arith.andi %ne3A_158, %ne3A_154 : i1
      %add3A_159 = arith.addi %rem3A, %select_n3A : i32
      %select_n3A_160 = arith.select %and3A, %add3A_159, %rem3A : i32
      %jit3A_161 = arith.constant 6 : i32
      %eq3A_162 = arith.constant 0 : i32
      %eq3A_163 = arith.cmpi eq, %jit3A_161, %eq3A_162 : i32
      %jit3A_164 = arith.constant 1 : i32
      %select_n3A_165 = arith.select %eq3A_163, %jit3A_164, %jit3A_161 : i32
      %rem3A_166 = arith.remsi %scan3A_148, %select_n3A_165 : i32
      %ne3A_167 = arith.constant 0 : i32
      %ne3A_168 = arith.cmpi ne, %rem3A_166, %ne3A_167 : i32
      %lt3A_169 = arith.constant 0 : i32
      %lt3A_170 = arith.cmpi slt, %rem3A_166, %lt3A_169 : i32
      %lt3A_171 = arith.constant 0 : i32
      %lt3A_172 = arith.cmpi slt, %select_n3A_165, %lt3A_171 : i32
      %ne3A_173 = arith.xori %lt3A_170, %lt3A_172 : i1
      %and3A_174 = arith.andi %ne3A_173, %ne3A_168 : i1
      %add3A_175 = arith.addi %rem3A_166, %select_n3A_165 : i32
      %select_n3A_176 = arith.select %and3A_174, %add3A_175, %rem3A_166 : i32
      %dma_wait3A_177 = arith.constant 0 : i32
      %dma_wait3A_178 = arith.constant 0 : i32
      %dma_wait3A_179 = arith.constant 0 : i32
      %dma_wait3A_180 = tpu.memref_slice %arg8[%select_n3A_160, %dma_wait3A_178, %dma_wait3A_179] : memref<6x80x64xf32, #tpu.memory_space<vmem>> -> memref<1x80x64xf32, #tpu.memory_space<vmem>>
      %dma_wait3A_181 = tpu.memref_squeeze %dma_wait3A_180 : memref<1x80x64xf32, #tpu.memory_space<vmem>> -> memref<80x64xf32, #tpu.memory_space<vmem>>
      %dma_wait3A_182 = arith.constant 0 : i32
      %dma_wait3A_183 = tpu.memref_slice %arg6[%dma_wait3A_177, %dma_wait3A_182] : memref<250x80xi32, #tpu.memory_space<vmem>> -> memref<1x80xi32, #tpu.memory_space<vmem>>
      %dma_wait3A_184 = tpu.memref_squeeze %dma_wait3A_183 : memref<1x80xi32, #tpu.memory_space<vmem>> -> memref<80xi32, #tpu.memory_space<vmem>>
      %dma_wait3A_185 = arith.constant 0 : i32
      %dma_wait3A_186 = arith.constant 0 : i32
      %dma_wait3A_187 = tpu.memref_slice %arg2[%arg0, %dma_wait3A_185, %dma_wait3A_186] : memref<2x10000x64xf32, #tpu.memory_space<hbm>> -> memref<1x10000x64xf32, #tpu.memory_space<hbm>>
      %dma_wait3A_188 = tpu.memref_squeeze %dma_wait3A_187 : memref<1x10000x64xf32, #tpu.memory_space<hbm>> -> memref<10000x64xf32, #tpu.memory_space<hbm>>
      %dma_wait3A_189 = arith.constant 0 : i32
      %dma_wait3A_190 = arith.constant 0 : i32
      %dma_wait3A_191 = tpu.memref_slice %dma_wait3A_188[%dma_wait3A_189, %dma_wait3A_190] : memref<10000x64xf32, #tpu.memory_space<hbm>> -> memref<10000x64xf32, #tpu.memory_space<hbm>>
      %dma_wait3A_192 = tpu.memref_slice %arg14[%select_n3A_176] : memref<6x!tpu.dma_semaphore, #tpu.memory_space<semaphore_mem>> -> memref<1x!tpu.dma_semaphore, #tpu.memory_space<semaphore_mem>>
      %dma_wait3A_193 = tpu.memref_squeeze %dma_wait3A_192 : memref<1x!tpu.dma_semaphore, #tpu.memory_space<semaphore_mem>> -> memref<!tpu.dma_semaphore, #tpu.memory_space<semaphore_mem>>
      tpu.wait_indirect_dma semaphore(%dma_wait3A_193 : memref<!tpu.dma_semaphore, #tpu.memory_space<semaphore_mem>>) src(%dma_wait3A_191 : memref<10000x64xf32, #tpu.memory_space<hbm>>) dst(%dma_wait3A_181 : memref<80x64xf32, #tpu.memory_space<vmem>>)
      %add3A_194 = arith.constant 3 : i32
      %add3A_195 = arith.addi %scan3A_148, %add3A_194 : i32
      %lt3A_196 = arith.constant 250 : i32
      %lt3A_197 = arith.cmpi slt, %add3A_195, %lt3A_196 : i32
      %convert_element_type3A_198 = arith.extui %lt3A_197 : i1 to i32
      %cond3A_199 = arith.constant 0 : i32
      %cond3A_200 = arith.cmpi ne, %convert_element_type3A_198, %cond3A_199 : i32
      scf.if %cond3A_200 {
        %add3A_246 = arith.constant 3 : i32
        %add3A_247 = arith.addi %scan3A_148, %add3A_246 : i32
        %jit3A_248 = arith.constant 6 : i32
        %eq3A_249 = arith.constant 0 : i32
        %eq3A_250 = arith.cmpi eq, %jit3A_248, %eq3A_249 : i32
        %jit3A_251 = arith.constant 1 : i32
        %select_n3A_252 = arith.select %eq3A_250, %jit3A_251, %jit3A_248 : i32
        %rem3A_253 = arith.remsi %add3A_247, %select_n3A_252 : i32
        %ne3A_254 = arith.constant 0 : i32
        %ne3A_255 = arith.cmpi ne, %rem3A_253, %ne3A_254 : i32
        %lt3A_256 = arith.constant 0 : i32
        %lt3A_257 = arith.cmpi slt, %rem3A_253, %lt3A_256 : i32
        %lt3A_258 = arith.constant 0 : i32
        %lt3A_259 = arith.cmpi slt, %select_n3A_252, %lt3A_258 : i32
        %ne3A_260 = arith.xori %lt3A_257, %lt3A_259 : i1
        %and3A_261 = arith.andi %ne3A_260, %ne3A_255 : i1
        %add3A_262 = arith.addi %rem3A_253, %select_n3A_252 : i32
        %select_n3A_263 = arith.select %and3A_261, %add3A_262, %rem3A_253 : i32
        %jit3A_264 = arith.constant 6 : i32
        %eq3A_265 = arith.constant 0 : i32
        %eq3A_266 = arith.cmpi eq, %jit3A_264, %eq3A_265 : i32
        %jit3A_267 = arith.constant 1 : i32
        %select_n3A_268 = arith.select %eq3A_266, %jit3A_267, %jit3A_264 : i32
        %rem3A_269 = arith.remsi %add3A_247, %select_n3A_268 : i32
        %ne3A_270 = arith.constant 0 : i32
        %ne3A_271 = arith.cmpi ne, %rem3A_269, %ne3A_270 : i32
        %lt3A_272 = arith.constant 0 : i32
        %lt3A_273 = arith.cmpi slt, %rem3A_269, %lt3A_272 : i32
        %lt3A_274 = arith.constant 0 : i32
        %lt3A_275 = arith.cmpi slt, %select_n3A_268, %lt3A_274 : i32
        %ne3A_276 = arith.xori %lt3A_273, %lt3A_275 : i1
        %and3A_277 = arith.andi %ne3A_276, %ne3A_271 : i1
        %add3A_278 = arith.addi %rem3A_269, %select_n3A_268 : i32
        %select_n3A_279 = arith.select %and3A_277, %add3A_278, %rem3A_269 : i32
        %dma_start3A_280 = arith.constant 0 : i32
        %dma_start3A_281 = arith.constant 0 : i32
        %dma_start3A_282 = tpu.memref_slice %arg8[%select_n3A_263, %dma_start3A_280, %dma_start3A_281] : memref<6x80x64xf32, #tpu.memory_space<vmem>> -> memref<1x80x64xf32, #tpu.memory_space<vmem>>
        %dma_start3A_283 = tpu.memref_squeeze %dma_start3A_282 : memref<1x80x64xf32, #tpu.memory_space<vmem>> -> memref<80x64xf32, #tpu.memory_space<vmem>>
        %dma_start3A_284 = arith.constant 0 : i32
        %dma_start3A_285 = tpu.memref_slice %arg6[%add3A_247, %dma_start3A_284] : memref<250x80xi32, #tpu.memory_space<vmem>> -> memref<1x80xi32, #tpu.memory_space<vmem>>
        %dma_start3A_286 = tpu.memref_squeeze %dma_start3A_285 : memref<1x80xi32, #tpu.memory_space<vmem>> -> memref<80xi32, #tpu.memory_space<vmem>>
        %dma_start3A_287 = arith.constant 0 : i32
        %dma_start3A_288 = arith.constant 0 : i32
        %dma_start3A_289 = tpu.memref_slice %arg2[%arg0, %dma_start3A_287, %dma_start3A_288] : memref<2x10000x64xf32, #tpu.memory_space<hbm>> -> memref<1x10000x64xf32, #tpu.memory_space<hbm>>
        %dma_start3A_290 = tpu.memref_squeeze %dma_start3A_289 : memref<1x10000x64xf32, #tpu.memory_space<hbm>> -> memref<10000x64xf32, #tpu.memory_space<hbm>>
        %dma_start3A_291 = arith.constant 0 : i32
        %dma_start3A_292 = arith.constant 0 : i32
        %dma_start3A_293 = tpu.memref_slice %dma_start3A_290[%dma_start3A_291, %dma_start3A_292] : memref<10000x64xf32, #tpu.memory_space<hbm>> -> memref<10000x64xf32, #tpu.memory_space<hbm>>
        %dma_start3A_294 = tpu.memref_slice %arg14[%select_n3A_279] : memref<6x!tpu.dma_semaphore, #tpu.memory_space<semaphore_mem>> -> memref<1x!tpu.dma_semaphore, #tpu.memory_space<semaphore_mem>>
        %dma_start3A_295 = tpu.memref_squeeze %dma_start3A_294 : memref<1x!tpu.dma_semaphore, #tpu.memory_space<semaphore_mem>> -> memref<!tpu.dma_semaphore, #tpu.memory_space<semaphore_mem>>
        tpu.enqueue_indirect_dma source(%dma_start3A_293 : memref<10000x64xf32, #tpu.memory_space<hbm>>) target(%dma_start3A_283 : memref<80x64xf32, #tpu.memory_space<vmem>>) offsets(%dma_start3A_286 : memref<80xi32, #tpu.memory_space<vmem>>) semaphore(%dma_start3A_295 : memref<!tpu.dma_semaphore, #tpu.memory_space<semaphore_mem>>)
      } else {
      }
      %jit3A_201 = arith.constant 6 : i32
      %eq3A_202 = arith.constant 0 : i32
      %eq3A_203 = arith.cmpi eq, %jit3A_201, %eq3A_202 : i32
      %jit3A_204 = arith.constant 1 : i32
      %select_n3A_205 = arith.select %eq3A_203, %jit3A_204, %jit3A_201 : i32
      %rem3A_206 = arith.remsi %scan3A_148, %select_n3A_205 : i32
      %ne3A_207 = arith.constant 0 : i32
      %ne3A_208 = arith.cmpi ne, %rem3A_206, %ne3A_207 : i32
      %lt3A_209 = arith.constant 0 : i32
      %lt3A_210 = arith.cmpi slt, %rem3A_206, %lt3A_209 : i32
      %lt3A_211 = arith.constant 0 : i32
      %lt3A_212 = arith.cmpi slt, %select_n3A_205, %lt3A_211 : i32
      %ne3A_213 = arith.xori %lt3A_210, %lt3A_212 : i1
      %and3A_214 = arith.andi %ne3A_213, %ne3A_208 : i1
      %add3A_215 = arith.addi %rem3A_206, %select_n3A_205 : i32
      %select_n3A_216 = arith.select %and3A_214, %add3A_215, %rem3A_206 : i32
      %jit3A_217 = arith.constant 6 : i32
      %eq3A_218 = arith.constant 0 : i32
      %eq3A_219 = arith.cmpi eq, %jit3A_217, %eq3A_218 : i32
      %jit3A_220 = arith.constant 1 : i32
      %select_n3A_221 = arith.select %eq3A_219, %jit3A_220, %jit3A_217 : i32
      %rem3A_222 = arith.remsi %scan3A_148, %select_n3A_221 : i32
      %ne3A_223 = arith.constant 0 : i32
      %ne3A_224 = arith.cmpi ne, %rem3A_222, %ne3A_223 : i32
      %lt3A_225 = arith.constant 0 : i32
      %lt3A_226 = arith.cmpi slt, %rem3A_222, %lt3A_225 : i32
      %lt3A_227 = arith.constant 0 : i32
      %lt3A_228 = arith.cmpi slt, %select_n3A_221, %lt3A_227 : i32
      %ne3A_229 = arith.xori %lt3A_226, %lt3A_228 : i1
      %and3A_230 = arith.andi %ne3A_229, %ne3A_224 : i1
      %add3A_231 = arith.addi %rem3A_222, %select_n3A_221 : i32
      %select_n3A_232 = arith.select %and3A_230, %add3A_231, %rem3A_222 : i32
      %dma_start3A_233 = arith.constant 0 : i32
      %dma_start3A_234 = arith.constant 0 : i32
      %dma_start3A_235 = tpu.memref_slice %arg8[%select_n3A_216, %dma_start3A_233, %dma_start3A_234] : memref<6x80x64xf32, #tpu.memory_space<vmem>> -> memref<1x80x64xf32, #tpu.memory_space<vmem>>
      %dma_start3A_236 = tpu.memref_squeeze %dma_start3A_235 : memref<1x80x64xf32, #tpu.memory_space<vmem>> -> memref<80x64xf32, #tpu.memory_space<vmem>>
      %dma_start3A_237 = arith.constant 0 : i32
      %dma_start3A_238 = tpu.memref_slice %arg7[%scan3A_148, %dma_start3A_237] : memref<250x80xi32, #tpu.memory_space<vmem>> -> memref<1x80xi32, #tpu.memory_space<vmem>>
      %dma_start3A_239 = tpu.memref_squeeze %dma_start3A_238 : memref<1x80xi32, #tpu.memory_space<vmem>> -> memref<80xi32, #tpu.memory_space<vmem>>
      %dma_start3A_240 = arith.constant 0 : i32
      %dma_start3A_241 = arith.constant 0 : i32
      %dma_start3A_242 = tpu.memref_slice %arg12[%dma_start3A_240, %dma_start3A_241] : memref<10000x64xf32, #tpu.memory_space<vmem_shared>> -> memref<10000x64xf32, #tpu.memory_space<vmem_shared>>
      %dma_start3A_243 = tpu.memref_slice %arg15[%select_n3A_232] : memref<6x!tpu.dma_semaphore, #tpu.memory_space<semaphore_mem>> -> memref<1x!tpu.dma_semaphore, #tpu.memory_space<semaphore_mem>>
      %dma_start3A_244 = tpu.memref_squeeze %dma_start3A_243 : memref<1x!tpu.dma_semaphore, #tpu.memory_space<semaphore_mem>> -> memref<!tpu.dma_semaphore, #tpu.memory_space<semaphore_mem>>
      tpu.enqueue_indirect_dma source(%dma_start3A_236 : memref<80x64xf32, #tpu.memory_space<vmem>>) target(%dma_start3A_242 : memref<10000x64xf32, #tpu.memory_space<vmem_shared>>) offsets(%dma_start3A_239 : memref<80xi32, #tpu.memory_space<vmem>>) semaphore(%dma_start3A_244 : memref<!tpu.dma_semaphore, #tpu.memory_space<semaphore_mem>>) {add = true}
      %scan3A_245 = arith.constant 0 : i32
      scf.yield %scan3A_245 : i32
    }
    %scan3A_91 = arith.constant 250 : i32
    %dma_wait3A = arith.constant 1 : i32
    %dma_wait3A_92 = arith.constant 1 : i32
    %dma_wait3A_93 = arith.constant 0 : i32
    %dma_wait3A_94 = arith.constant 0 : i32
    %dma_wait3A_95 = tpu.memref_slice %arg8[%dma_wait3A, %dma_wait3A_93, %dma_wait3A_94] : memref<6x80x64xf32, #tpu.memory_space<vmem>> -> memref<1x80x64xf32, #tpu.memory_space<vmem>>
    %dma_wait3A_96 = tpu.memref_squeeze %dma_wait3A_95 : memref<1x80x64xf32, #tpu.memory_space<vmem>> -> memref<80x64xf32, #tpu.memory_space<vmem>>
    %dma_wait3A_97 = arith.constant 0 : i32
    %dma_wait3A_98 = arith.constant 0 : i32
    %dma_wait3A_99 = tpu.memref_slice %arg12[%dma_wait3A_97, %dma_wait3A_98] : memref<10000x64xf32, #tpu.memory_space<vmem_shared>> -> memref<80x64xf32, #tpu.memory_space<vmem_shared>>
    %dma_wait3A_100 = tpu.memref_slice %arg15[%dma_wait3A_92] : memref<6x!tpu.dma_semaphore, #tpu.memory_space<semaphore_mem>> -> memref<1x!tpu.dma_semaphore, #tpu.memory_space<semaphore_mem>>
    %dma_wait3A_101 = tpu.memref_squeeze %dma_wait3A_100 : memref<1x!tpu.dma_semaphore, #tpu.memory_space<semaphore_mem>> -> memref<!tpu.dma_semaphore, #tpu.memory_space<semaphore_mem>>
    %dma_wait3A_102 = arith.constant 0 : i32
    %dma_wait3A_103 = arith.constant 0 : i32
    %dma_wait3A_104 = tpu.memref_slice %arg12[%dma_wait3A_102, %dma_wait3A_103] : memref<10000x64xf32, #tpu.memory_space<vmem_shared>> -> memref<80x64xf32, #tpu.memory_space<vmem_shared>>
    %dma_wait3A_105 = arith.constant 0 : i32
    %dma_wait3A_106 = arith.constant 0 : i32
    %dma_wait3A_107 = tpu.memref_slice %arg8[%dma_wait3A, %dma_wait3A_105, %dma_wait3A_106] : memref<6x80x64xf32, #tpu.memory_space<vmem>> -> memref<1x80x64xf32, #tpu.memory_space<vmem>>
    %dma_wait3A_108 = tpu.memref_squeeze %dma_wait3A_107 : memref<1x80x64xf32, #tpu.memory_space<vmem>> -> memref<80x64xf32, #tpu.memory_space<vmem>>
    tpu.wait_dma2 semaphore(%dma_wait3A_101 : memref<!tpu.dma_semaphore, #tpu.memory_space<semaphore_mem>>) src(%dma_wait3A_108 : memref<80x64xf32, #tpu.memory_space<vmem>>) dst(%dma_wait3A_104 : memref<80x64xf32, #tpu.memory_space<vmem_shared>>)
    %dma_wait3A_109 = arith.constant 2 : i32
    %dma_wait3A_110 = arith.constant 2 : i32
    %dma_wait3A_111 = arith.constant 0 : i32
    %dma_wait3A_112 = arith.constant 0 : i32
    %dma_wait3A_113 = tpu.memref_slice %arg8[%dma_wait3A_109, %dma_wait3A_111, %dma_wait3A_112] : memref<6x80x64xf32, #tpu.memory_space<vmem>> -> memref<1x80x64xf32, #tpu.memory_space<vmem>>
    %dma_wait3A_114 = tpu.memref_squeeze %dma_wait3A_113 : memref<1x80x64xf32, #tpu.memory_space<vmem>> -> memref<80x64xf32, #tpu.memory_space<vmem>>
    %dma_wait3A_115 = arith.constant 0 : i32
    %dma_wait3A_116 = arith.constant 0 : i32
    %dma_wait3A_117 = tpu.memref_slice %arg12[%dma_wait3A_115, %dma_wait3A_116] : memref<10000x64xf32, #tpu.memory_space<vmem_shared>> -> memref<80x64xf32, #tpu.memory_space<vmem_shared>>
    %dma_wait3A_118 = tpu.memref_slice %arg15[%dma_wait3A_110] : memref<6x!tpu.dma_semaphore, #tpu.memory_space<semaphore_mem>> -> memref<1x!tpu.dma_semaphore, #tpu.memory_space<semaphore_mem>>
    %dma_wait3A_119 = tpu.memref_squeeze %dma_wait3A_118 : memref<1x!tpu.dma_semaphore, #tpu.memory_space<semaphore_mem>> -> memref<!tpu.dma_semaphore, #tpu.memory_space<semaphore_mem>>
    %dma_wait3A_120 = arith.constant 0 : i32
    %dma_wait3A_121 = arith.constant 0 : i32
    %dma_wait3A_122 = tpu.memref_slice %arg12[%dma_wait3A_120, %dma_wait3A_121] : memref<10000x64xf32, #tpu.memory_space<vmem_shared>> -> memref<80x64xf32, #tpu.memory_space<vmem_shared>>
    %dma_wait3A_123 = arith.constant 0 : i32
    %dma_wait3A_124 = arith.constant 0 : i32
    %dma_wait3A_125 = tpu.memref_slice %arg8[%dma_wait3A_109, %dma_wait3A_123, %dma_wait3A_124] : memref<6x80x64xf32, #tpu.memory_space<vmem>> -> memref<1x80x64xf32, #tpu.memory_space<vmem>>
    %dma_wait3A_126 = tpu.memref_squeeze %dma_wait3A_125 : memref<1x80x64xf32, #tpu.memory_space<vmem>> -> memref<80x64xf32, #tpu.memory_space<vmem>>
    tpu.wait_dma2 semaphore(%dma_wait3A_119 : memref<!tpu.dma_semaphore, #tpu.memory_space<semaphore_mem>>) src(%dma_wait3A_126 : memref<80x64xf32, #tpu.memory_space<vmem>>) dst(%dma_wait3A_122 : memref<80x64xf32, #tpu.memory_space<vmem_shared>>)
    %dma_wait3A_127 = arith.constant 3 : i32
    %dma_wait3A_128 = arith.constant 3 : i32
    %dma_wait3A_129 = arith.constant 0 : i32
    %dma_wait3A_130 = arith.constant 0 : i32
    %dma_wait3A_131 = tpu.memref_slice %arg8[%dma_wait3A_127, %dma_wait3A_129, %dma_wait3A_130] : memref<6x80x64xf32, #tpu.memory_space<vmem>> -> memref<1x80x64xf32, #tpu.memory_space<vmem>>
    %dma_wait3A_132 = tpu.memref_squeeze %dma_wait3A_131 : memref<1x80x64xf32, #tpu.memory_space<vmem>> -> memref<80x64xf32, #tpu.memory_space<vmem>>
    %dma_wait3A_133 = arith.constant 0 : i32
    %dma_wait3A_134 = arith.constant 0 : i32
    %dma_wait3A_135 = tpu.memref_slice %arg12[%dma_wait3A_133, %dma_wait3A_134] : memref<10000x64xf32, #tpu.memory_space<vmem_shared>> -> memref<80x64xf32, #tpu.memory_space<vmem_shared>>
    %dma_wait3A_136 = tpu.memref_slice %arg15[%dma_wait3A_128] : memref<6x!tpu.dma_semaphore, #tpu.memory_space<semaphore_mem>> -> memref<1x!tpu.dma_semaphore, #tpu.memory_space<semaphore_mem>>
    %dma_wait3A_137 = tpu.memref_squeeze %dma_wait3A_136 : memref<1x!tpu.dma_semaphore, #tpu.memory_space<semaphore_mem>> -> memref<!tpu.dma_semaphore, #tpu.memory_space<semaphore_mem>>
    %dma_wait3A_138 = arith.constant 0 : i32
    %dma_wait3A_139 = arith.constant 0 : i32
    %dma_wait3A_140 = tpu.memref_slice %arg12[%dma_wait3A_138, %dma_wait3A_139] : memref<10000x64xf32, #tpu.memory_space<vmem_shared>> -> memref<80x64xf32, #tpu.memory_space<vmem_shared>>
    %dma_wait3A_141 = arith.constant 0 : i32
    %dma_wait3A_142 = arith.constant 0 : i32
    %dma_wait3A_143 = tpu.memref_slice %arg8[%dma_wait3A_127, %dma_wait3A_141, %dma_wait3A_142] : memref<6x80x64xf32, #tpu.memory_space<vmem>> -> memref<1x80x64xf32, #tpu.memory_space<vmem>>
    %dma_wait3A_144 = tpu.memref_squeeze %dma_wait3A_143 : memref<1x80x64xf32, #tpu.memory_space<vmem>> -> memref<80x64xf32, #tpu.memory_space<vmem>>
    tpu.wait_dma2 semaphore(%dma_wait3A_137 : memref<!tpu.dma_semaphore, #tpu.memory_space<semaphore_mem>>) src(%dma_wait3A_144 : memref<80x64xf32, #tpu.memory_space<vmem>>) dst(%dma_wait3A_140 : memref<80x64xf32, #tpu.memory_space<vmem_shared>>)
    %barrier3A_145 = arith.constant 0 : index
    tpu.barrier barrier_id(%barrier3A_145)
    %mul3A_146 = arith.constant 625 : i32
    %mul3A_147 = arith.muli %arg1, %mul3A_146 : i32
    "tpu.region"() ({
      %run_scoped3A = tpu.sem_alloc : memref<!tpu.dma_semaphore, #tpu.memory_space<semaphore_mem>>
      %dma_start3A_148 = arith.constant 0 : i32
      %dma_start3A_149 = tpu.memref_slice %arg5[%arg0, %mul3A_147, %dma_start3A_148] : memref<2x10000x64xf32, #tpu.memory_space<hbm>> -> memref<1x625x64xf32, #tpu.memory_space<hbm>>
      %dma_start3A_150 = tpu.memref_squeeze %dma_start3A_149 : memref<1x625x64xf32, #tpu.memory_space<hbm>> -> memref<625x64xf32, #tpu.memory_space<hbm>>
      %dma_start3A_151 = arith.constant 0 : i32
      %dma_start3A_152 = tpu.memref_slice %arg12[%mul3A_147, %dma_start3A_151] : memref<10000x64xf32, #tpu.memory_space<vmem_shared>> -> memref<625x64xf32, #tpu.memory_space<vmem_shared>>
      tpu.enqueue_dma source(%dma_start3A_152 : memref<625x64xf32, #tpu.memory_space<vmem_shared>>) target(%dma_start3A_150 : memref<625x64xf32, #tpu.memory_space<hbm>>) target_semaphore(%run_scoped3A : memref<!tpu.dma_semaphore, #tpu.memory_space<semaphore_mem>>)
      %dma_wait3A_153 = arith.constant 0 : i32
      %dma_wait3A_154 = tpu.memref_slice %arg5[%arg0, %mul3A_147, %dma_wait3A_153] : memref<2x10000x64xf32, #tpu.memory_space<hbm>> -> memref<1x625x64xf32, #tpu.memory_space<hbm>>
      %dma_wait3A_155 = tpu.memref_squeeze %dma_wait3A_154 : memref<1x625x64xf32, #tpu.memory_space<hbm>> -> memref<625x64xf32, #tpu.memory_space<hbm>>
      %dma_wait3A_156 = arith.constant 0 : i32
      %dma_wait3A_157 = tpu.memref_slice %arg12[%mul3A_147, %dma_wait3A_156] : memref<10000x64xf32, #tpu.memory_space<vmem_shared>> -> memref<625x64xf32, #tpu.memory_space<vmem_shared>>
      tpu.wait_dma2 semaphore(%run_scoped3A : memref<!tpu.dma_semaphore, #tpu.memory_space<semaphore_mem>>) src(%dma_wait3A_157 : memref<625x64xf32, #tpu.memory_space<vmem_shared>>) dst(%dma_wait3A_155 : memref<625x64xf32, #tpu.memory_space<hbm>>)
      tpu.yield
    }) : () -> ()
    return
  }
}

#map = affine_map<(d0, d1) -> (0, 0, 0)>
#map1 = affine_map<(d0, d1) -> (0, 0)>
module attributes {stable_mosaic.version = 14 : i64} {
  func.func @sc_agg_cnt(%arg0: i32, %arg1: i32, %arg2: memref<2x10000x64xf32, #tpu.memory_space<hbm>>, %arg3: memref<4000x80xi32, #tpu.memory_space<hbm>>, %arg4: memref<4000x80xi32, #tpu.memory_space<hbm>>, %arg5: memref<2x10000x64xf32, #tpu.memory_space<hbm>>, %arg6: memref<2x10000x16xf32, #tpu.memory_space<hbm>>, %arg7: memref<250x80xi32, #tpu.memory_space<vmem>>, %arg8: memref<250x80xi32, #tpu.memory_space<vmem>>, %arg9: memref<4x80x64xf32, #tpu.memory_space<vmem>>, %arg10: memref<80x16xf32, #tpu.memory_space<vmem>>, %arg11: memref<125x64xf32, #tpu.memory_space<vmem>>, %arg12: memref<625x16xf32, #tpu.memory_space<vmem>>, %arg13: memref<10000x64xf32, #tpu.memory_space<vmem_shared>>, %arg14: memref<10000x16xf32, #tpu.memory_space<vmem_shared>>, %arg15: memref<4x!tpu.dma_semaphore, #tpu.memory_space<semaphore_mem>>, %arg16: memref<4x!tpu.dma_semaphore, #tpu.memory_space<semaphore_mem>>, %arg17: memref<!tpu.dma_semaphore, #tpu.memory_space<semaphore_mem>>) attributes {dimension_semantics = [#tpu.dimension_semantics<core_parallel>, #tpu.dimension_semantics<subcore_parallel>], iteration_bounds = array<i64: 2, 16>, scalar_prefetch = 0 : i64, scratch_operands = 11 : i64, tpu.core_type = #tpu.core_type<sc_vector_subcore>, window_params = [{transform_indices = #map}, {transform_indices = #map1}, {transform_indices = #map1}, {transform_indices = #map}, {transform_indices = #map}]} {
    %broadcast_in_dim3A = arith.constant 0.000000e+00 : f32
    %broadcast_in_dim3A_0 = vector.broadcast %broadcast_in_dim3A : f32 to vector<16xf32>
    %scan3A = arith.constant 0 : i32
    %scan3A_1 = arith.constant 0 : i32
    %scan3A_2 = arith.constant 125 : i32
    %scan3A_3 = arith.addi %scan3A_1, %scan3A_2 : i32
    %scan3A_4 = arith.constant 1 : i32
    %scan3A_5 = scf.for %scan3A_135 = %scan3A_1 to %scan3A_3 step %scan3A_4 iter_args(%scan3A_136 = %scan3A) -> (i32)  : i32 {
      %swap3A = arith.index_cast %scan3A_135 : i32 to index
      %swap3A_137 = arith.constant 0 : index
      %swap3A_138 = tpu.vector_load %arg11[%swap3A, %swap3A_137] {strides = array<i32>} : memref<125x64xf32, #tpu.memory_space<vmem>>, vector<1x16xf32>,
      %swap3A_139 = vector.shape_cast %swap3A_138 : vector<1x16xf32> to vector<16xf32>
      %swap3A_140 = vector.shape_cast %broadcast_in_dim3A_0 : vector<16xf32> to vector<1x16xf32>
      tpu.vector_store %arg11[%swap3A, %swap3A_137], %swap3A_140 {strides = array<i32>} : memref<125x64xf32, #tpu.memory_space<vmem>>, vector<1x16xf32>,
      %swap3A_141 = arith.index_cast %scan3A_135 : i32 to index
      %swap3A_142 = arith.constant 16 : index
      %swap3A_143 = tpu.vector_load %arg11[%swap3A_141, %swap3A_142] {strides = array<i32>} : memref<125x64xf32, #tpu.memory_space<vmem>>, vector<1x16xf32>,
      %swap3A_144 = vector.shape_cast %swap3A_143 : vector<1x16xf32> to vector<16xf32>
      %swap3A_145 = vector.shape_cast %broadcast_in_dim3A_0 : vector<16xf32> to vector<1x16xf32>
      tpu.vector_store %arg11[%swap3A_141, %swap3A_142], %swap3A_145 {strides = array<i32>} : memref<125x64xf32, #tpu.memory_space<vmem>>, vector<1x16xf32>,
      %swap3A_146 = arith.index_cast %scan3A_135 : i32 to index
      %swap3A_147 = arith.constant 32 : index
      %swap3A_148 = tpu.vector_load %arg11[%swap3A_146, %swap3A_147] {strides = array<i32>} : memref<125x64xf32, #tpu.memory_space<vmem>>, vector<1x16xf32>,
      %swap3A_149 = vector.shape_cast %swap3A_148 : vector<1x16xf32> to vector<16xf32>
      %swap3A_150 = vector.shape_cast %broadcast_in_dim3A_0 : vector<16xf32> to vector<1x16xf32>
      tpu.vector_store %arg11[%swap3A_146, %swap3A_147], %swap3A_150 {strides = array<i32>} : memref<125x64xf32, #tpu.memory_space<vmem>>, vector<1x16xf32>,
      %swap3A_151 = arith.index_cast %scan3A_135 : i32 to index
      %swap3A_152 = arith.constant 48 : index
      %swap3A_153 = tpu.vector_load %arg11[%swap3A_151, %swap3A_152] {strides = array<i32>} : memref<125x64xf32, #tpu.memory_space<vmem>>, vector<1x16xf32>,
      %swap3A_154 = vector.shape_cast %swap3A_153 : vector<1x16xf32> to vector<16xf32>
      %swap3A_155 = vector.shape_cast %broadcast_in_dim3A_0 : vector<16xf32> to vector<1x16xf32>
      tpu.vector_store %arg11[%swap3A_151, %swap3A_152], %swap3A_155 {strides = array<i32>} : memref<125x64xf32, #tpu.memory_space<vmem>>, vector<1x16xf32>,
      %scan3A_156 = arith.constant 0 : i32
      scf.yield %scan3A_156 : i32
    }
    %scan3A_6 = arith.constant 125 : i32
    %mul3A = arith.constant 625 : i32
    %mul3A_7 = arith.muli %arg1, %mul3A : i32
    %add3A = arith.constant 0 : i32
    %add3A_8 = arith.addi %mul3A_7, %add3A : i32
    "tpu.region"() ({
      %run_scoped3A = tpu.sem_alloc : memref<!tpu.dma_semaphore, #tpu.memory_space<semaphore_mem>>
      %dma_start3A_135 = arith.constant 0 : i32
      %dma_start3A_136 = tpu.memref_slice %arg13[%add3A_8, %dma_start3A_135] : memref<10000x64xf32, #tpu.memory_space<vmem_shared>> -> memref<125x64xf32, #tpu.memory_space<vmem_shared>>
      %dma_start3A_137 = arith.constant 0 : i32
      %dma_start3A_138 = tpu.memref_slice %arg13[%add3A_8, %dma_start3A_137] : memref<10000x64xf32, #tpu.memory_space<vmem_shared>> -> memref<125x64xf32, #tpu.memory_space<vmem_shared>>
      tpu.enqueue_dma source(%arg11 : memref<125x64xf32, #tpu.memory_space<vmem>>) target(%dma_start3A_138 : memref<125x64xf32, #tpu.memory_space<vmem_shared>>) target_semaphore(%run_scoped3A : memref<!tpu.dma_semaphore, #tpu.memory_space<semaphore_mem>>)
      %dma_wait3A_139 = arith.constant 0 : i32
      %dma_wait3A_140 = tpu.memref_slice %arg13[%add3A_8, %dma_wait3A_139] : memref<10000x64xf32, #tpu.memory_space<vmem_shared>> -> memref<125x64xf32, #tpu.memory_space<vmem_shared>>
      %dma_wait3A_141 = arith.constant 0 : i32
      %dma_wait3A_142 = tpu.memref_slice %arg13[%add3A_8, %dma_wait3A_141] : memref<10000x64xf32, #tpu.memory_space<vmem_shared>> -> memref<125x64xf32, #tpu.memory_space<vmem_shared>>
      tpu.wait_dma2 semaphore(%run_scoped3A : memref<!tpu.dma_semaphore, #tpu.memory_space<semaphore_mem>>) src(%arg11 : memref<125x64xf32, #tpu.memory_space<vmem>>) dst(%dma_wait3A_142 : memref<125x64xf32, #tpu.memory_space<vmem_shared>>)
      tpu.yield
    }) : () -> ()
    %mul3A_9 = arith.constant 625 : i32
    %mul3A_10 = arith.muli %arg1, %mul3A_9 : i32
    %add3A_11 = arith.constant 125 : i32
    %add3A_12 = arith.addi %mul3A_10, %add3A_11 : i32
    "tpu.region"() ({
      %run_scoped3A = tpu.sem_alloc : memref<!tpu.dma_semaphore, #tpu.memory_space<semaphore_mem>>
      %dma_start3A_135 = arith.constant 0 : i32
      %dma_start3A_136 = tpu.memref_slice %arg13[%add3A_12, %dma_start3A_135] : memref<10000x64xf32, #tpu.memory_space<vmem_shared>> -> memref<125x64xf32, #tpu.memory_space<vmem_shared>>
      %dma_start3A_137 = arith.constant 0 : i32
      %dma_start3A_138 = tpu.memref_slice %arg13[%add3A_12, %dma_start3A_137] : memref<10000x64xf32, #tpu.memory_space<vmem_shared>> -> memref<125x64xf32, #tpu.memory_space<vmem_shared>>
      tpu.enqueue_dma source(%arg11 : memref<125x64xf32, #tpu.memory_space<vmem>>) target(%dma_start3A_138 : memref<125x64xf32, #tpu.memory_space<vmem_shared>>) target_semaphore(%run_scoped3A : memref<!tpu.dma_semaphore, #tpu.memory_space<semaphore_mem>>)
      %dma_wait3A_139 = arith.constant 0 : i32
      %dma_wait3A_140 = tpu.memref_slice %arg13[%add3A_12, %dma_wait3A_139] : memref<10000x64xf32, #tpu.memory_space<vmem_shared>> -> memref<125x64xf32, #tpu.memory_space<vmem_shared>>
      %dma_wait3A_141 = arith.constant 0 : i32
      %dma_wait3A_142 = tpu.memref_slice %arg13[%add3A_12, %dma_wait3A_141] : memref<10000x64xf32, #tpu.memory_space<vmem_shared>> -> memref<125x64xf32, #tpu.memory_space<vmem_shared>>
      tpu.wait_dma2 semaphore(%run_scoped3A : memref<!tpu.dma_semaphore, #tpu.memory_space<semaphore_mem>>) src(%arg11 : memref<125x64xf32, #tpu.memory_space<vmem>>) dst(%dma_wait3A_142 : memref<125x64xf32, #tpu.memory_space<vmem_shared>>)
      tpu.yield
    }) : () -> ()
    %mul3A_13 = arith.constant 625 : i32
    %mul3A_14 = arith.muli %arg1, %mul3A_13 : i32
    %add3A_15 = arith.constant 250 : i32
    %add3A_16 = arith.addi %mul3A_14, %add3A_15 : i32
    "tpu.region"() ({
      %run_scoped3A = tpu.sem_alloc : memref<!tpu.dma_semaphore, #tpu.memory_space<semaphore_mem>>
      %dma_start3A_135 = arith.constant 0 : i32
      %dma_start3A_136 = tpu.memref_slice %arg13[%add3A_16, %dma_start3A_135] : memref<10000x64xf32, #tpu.memory_space<vmem_shared>> -> memref<125x64xf32, #tpu.memory_space<vmem_shared>>
      %dma_start3A_137 = arith.constant 0 : i32
      %dma_start3A_138 = tpu.memref_slice %arg13[%add3A_16, %dma_start3A_137] : memref<10000x64xf32, #tpu.memory_space<vmem_shared>> -> memref<125x64xf32, #tpu.memory_space<vmem_shared>>
      tpu.enqueue_dma source(%arg11 : memref<125x64xf32, #tpu.memory_space<vmem>>) target(%dma_start3A_138 : memref<125x64xf32, #tpu.memory_space<vmem_shared>>) target_semaphore(%run_scoped3A : memref<!tpu.dma_semaphore, #tpu.memory_space<semaphore_mem>>)
      %dma_wait3A_139 = arith.constant 0 : i32
      %dma_wait3A_140 = tpu.memref_slice %arg13[%add3A_16, %dma_wait3A_139] : memref<10000x64xf32, #tpu.memory_space<vmem_shared>> -> memref<125x64xf32, #tpu.memory_space<vmem_shared>>
      %dma_wait3A_141 = arith.constant 0 : i32
      %dma_wait3A_142 = tpu.memref_slice %arg13[%add3A_16, %dma_wait3A_141] : memref<10000x64xf32, #tpu.memory_space<vmem_shared>> -> memref<125x64xf32, #tpu.memory_space<vmem_shared>>
      tpu.wait_dma2 semaphore(%run_scoped3A : memref<!tpu.dma_semaphore, #tpu.memory_space<semaphore_mem>>) src(%arg11 : memref<125x64xf32, #tpu.memory_space<vmem>>) dst(%dma_wait3A_142 : memref<125x64xf32, #tpu.memory_space<vmem_shared>>)
      tpu.yield
    }) : () -> ()
    %mul3A_17 = arith.constant 625 : i32
    %mul3A_18 = arith.muli %arg1, %mul3A_17 : i32
    %add3A_19 = arith.constant 375 : i32
    %add3A_20 = arith.addi %mul3A_18, %add3A_19 : i32
    "tpu.region"() ({
      %run_scoped3A = tpu.sem_alloc : memref<!tpu.dma_semaphore, #tpu.memory_space<semaphore_mem>>
      %dma_start3A_135 = arith.constant 0 : i32
      %dma_start3A_136 = tpu.memref_slice %arg13[%add3A_20, %dma_start3A_135] : memref<10000x64xf32, #tpu.memory_space<vmem_shared>> -> memref<125x64xf32, #tpu.memory_space<vmem_shared>>
      %dma_start3A_137 = arith.constant 0 : i32
      %dma_start3A_138 = tpu.memref_slice %arg13[%add3A_20, %dma_start3A_137] : memref<10000x64xf32, #tpu.memory_space<vmem_shared>> -> memref<125x64xf32, #tpu.memory_space<vmem_shared>>
      tpu.enqueue_dma source(%arg11 : memref<125x64xf32, #tpu.memory_space<vmem>>) target(%dma_start3A_138 : memref<125x64xf32, #tpu.memory_space<vmem_shared>>) target_semaphore(%run_scoped3A : memref<!tpu.dma_semaphore, #tpu.memory_space<semaphore_mem>>)
      %dma_wait3A_139 = arith.constant 0 : i32
      %dma_wait3A_140 = tpu.memref_slice %arg13[%add3A_20, %dma_wait3A_139] : memref<10000x64xf32, #tpu.memory_space<vmem_shared>> -> memref<125x64xf32, #tpu.memory_space<vmem_shared>>
      %dma_wait3A_141 = arith.constant 0 : i32
      %dma_wait3A_142 = tpu.memref_slice %arg13[%add3A_20, %dma_wait3A_141] : memref<10000x64xf32, #tpu.memory_space<vmem_shared>> -> memref<125x64xf32, #tpu.memory_space<vmem_shared>>
      tpu.wait_dma2 semaphore(%run_scoped3A : memref<!tpu.dma_semaphore, #tpu.memory_space<semaphore_mem>>) src(%arg11 : memref<125x64xf32, #tpu.memory_space<vmem>>) dst(%dma_wait3A_142 : memref<125x64xf32, #tpu.memory_space<vmem_shared>>)
      tpu.yield
    }) : () -> ()
    %mul3A_21 = arith.constant 625 : i32
    %mul3A_22 = arith.muli %arg1, %mul3A_21 : i32
    %add3A_23 = arith.constant 500 : i32
    %add3A_24 = arith.addi %mul3A_22, %add3A_23 : i32
    "tpu.region"() ({
      %run_scoped3A = tpu.sem_alloc : memref<!tpu.dma_semaphore, #tpu.memory_space<semaphore_mem>>
      %dma_start3A_135 = arith.constant 0 : i32
      %dma_start3A_136 = tpu.memref_slice %arg13[%add3A_24, %dma_start3A_135] : memref<10000x64xf32, #tpu.memory_space<vmem_shared>> -> memref<125x64xf32, #tpu.memory_space<vmem_shared>>
      %dma_start3A_137 = arith.constant 0 : i32
      %dma_start3A_138 = tpu.memref_slice %arg13[%add3A_24, %dma_start3A_137] : memref<10000x64xf32, #tpu.memory_space<vmem_shared>> -> memref<125x64xf32, #tpu.memory_space<vmem_shared>>
      tpu.enqueue_dma source(%arg11 : memref<125x64xf32, #tpu.memory_space<vmem>>) target(%dma_start3A_138 : memref<125x64xf32, #tpu.memory_space<vmem_shared>>) target_semaphore(%run_scoped3A : memref<!tpu.dma_semaphore, #tpu.memory_space<semaphore_mem>>)
      %dma_wait3A_139 = arith.constant 0 : i32
      %dma_wait3A_140 = tpu.memref_slice %arg13[%add3A_24, %dma_wait3A_139] : memref<10000x64xf32, #tpu.memory_space<vmem_shared>> -> memref<125x64xf32, #tpu.memory_space<vmem_shared>>
      %dma_wait3A_141 = arith.constant 0 : i32
      %dma_wait3A_142 = tpu.memref_slice %arg13[%add3A_24, %dma_wait3A_141] : memref<10000x64xf32, #tpu.memory_space<vmem_shared>> -> memref<125x64xf32, #tpu.memory_space<vmem_shared>>
      tpu.wait_dma2 semaphore(%run_scoped3A : memref<!tpu.dma_semaphore, #tpu.memory_space<semaphore_mem>>) src(%arg11 : memref<125x64xf32, #tpu.memory_space<vmem>>) dst(%dma_wait3A_142 : memref<125x64xf32, #tpu.memory_space<vmem_shared>>)
      tpu.yield
    }) : () -> ()
    %scan3A_25 = arith.constant 0 : i32
    %scan3A_26 = arith.constant 0 : i32
    %scan3A_27 = arith.constant 625 : i32
    %scan3A_28 = arith.addi %scan3A_26, %scan3A_27 : i32
    %scan3A_29 = arith.constant 1 : i32
    %scan3A_30 = scf.for %scan3A_135 = %scan3A_26 to %scan3A_28 step %scan3A_29 iter_args(%scan3A_136 = %scan3A_25) -> (i32)  : i32 {
      %swap3A = arith.index_cast %scan3A_135 : i32 to index
      %swap3A_137 = arith.constant 0 : index
      %swap3A_138 = tpu.vector_load %arg12[%swap3A, %swap3A_137] {strides = array<i32>} : memref<625x16xf32, #tpu.memory_space<vmem>>, vector<1x16xf32>,
      %swap3A_139 = vector.shape_cast %swap3A_138 : vector<1x16xf32> to vector<16xf32>
      %swap3A_140 = vector.shape_cast %broadcast_in_dim3A_0 : vector<16xf32> to vector<1x16xf32>
      tpu.vector_store %arg12[%swap3A, %swap3A_137], %swap3A_140 {strides = array<i32>} : memref<625x16xf32, #tpu.memory_space<vmem>>, vector<1x16xf32>,
      %scan3A_141 = arith.constant 0 : i32
      scf.yield %scan3A_141 : i32
    }
    %scan3A_31 = arith.constant 625 : i32
    %mul3A_32 = arith.constant 625 : i32
    %mul3A_33 = arith.muli %arg1, %mul3A_32 : i32
    "tpu.region"() ({
      %run_scoped3A = tpu.sem_alloc : memref<!tpu.dma_semaphore, #tpu.memory_space<semaphore_mem>>
      %dma_start3A_135 = arith.constant 0 : i32
      %dma_start3A_136 = tpu.memref_slice %arg14[%mul3A_33, %dma_start3A_135] : memref<10000x16xf32, #tpu.memory_space<vmem_shared>> -> memref<625x16xf32, #tpu.memory_space<vmem_shared>>
      %dma_start3A_137 = arith.constant 0 : i32
      %dma_start3A_138 = tpu.memref_slice %arg14[%mul3A_33, %dma_start3A_137] : memref<10000x16xf32, #tpu.memory_space<vmem_shared>> -> memref<625x16xf32, #tpu.memory_space<vmem_shared>>
      tpu.enqueue_dma source(%arg12 : memref<625x16xf32, #tpu.memory_space<vmem>>) target(%dma_start3A_138 : memref<625x16xf32, #tpu.memory_space<vmem_shared>>) target_semaphore(%run_scoped3A : memref<!tpu.dma_semaphore, #tpu.memory_space<semaphore_mem>>)
      %dma_wait3A_139 = arith.constant 0 : i32
      %dma_wait3A_140 = tpu.memref_slice %arg14[%mul3A_33, %dma_wait3A_139] : memref<10000x16xf32, #tpu.memory_space<vmem_shared>> -> memref<625x16xf32, #tpu.memory_space<vmem_shared>>
      %dma_wait3A_141 = arith.constant 0 : i32
      %dma_wait3A_142 = tpu.memref_slice %arg14[%mul3A_33, %dma_wait3A_141] : memref<10000x16xf32, #tpu.memory_space<vmem_shared>> -> memref<625x16xf32, #tpu.memory_space<vmem_shared>>
      tpu.wait_dma2 semaphore(%run_scoped3A : memref<!tpu.dma_semaphore, #tpu.memory_space<semaphore_mem>>) src(%arg12 : memref<625x16xf32, #tpu.memory_space<vmem>>) dst(%dma_wait3A_142 : memref<625x16xf32, #tpu.memory_space<vmem_shared>>)
      tpu.yield
    }) : () -> ()
    %broadcast_in_dim3A_34 = arith.constant 1.000000e+00 : f32
    %broadcast_in_dim3A_35 = vector.broadcast %broadcast_in_dim3A_34 : f32 to vector<16xf32>
    %scan3A_36 = arith.constant 0 : i32
    %scan3A_37 = arith.constant 0 : i32
    %scan3A_38 = arith.constant 80 : i32
    %scan3A_39 = arith.addi %scan3A_37, %scan3A_38 : i32
    %scan3A_40 = arith.constant 1 : i32
    %scan3A_41 = scf.for %scan3A_135 = %scan3A_37 to %scan3A_39 step %scan3A_40 iter_args(%scan3A_136 = %scan3A_36) -> (i32)  : i32 {
      %swap3A = arith.index_cast %scan3A_135 : i32 to index
      %swap3A_137 = arith.constant 0 : index
      %swap3A_138 = tpu.vector_load %arg10[%swap3A, %swap3A_137] {strides = array<i32>} : memref<80x16xf32, #tpu.memory_space<vmem>>, vector<1x16xf32>,
      %swap3A_139 = vector.shape_cast %swap3A_138 : vector<1x16xf32> to vector<16xf32>
      %swap3A_140 = vector.shape_cast %broadcast_in_dim3A_35 : vector<16xf32> to vector<1x16xf32>
      tpu.vector_store %arg10[%swap3A, %swap3A_137], %swap3A_140 {strides = array<i32>} : memref<80x16xf32, #tpu.memory_space<vmem>>, vector<1x16xf32>,
      %scan3A_141 = arith.constant 0 : i32
      scf.yield %scan3A_141 : i32
    }
    %scan3A_42 = arith.constant 80 : i32
    %barrier3A = arith.constant 0 : index
    tpu.barrier barrier_id(%barrier3A)
    %mul3A_43 = arith.constant 250 : i32
    %mul3A_44 = arith.muli %arg1, %mul3A_43 : i32
    "tpu.region"() ({
      %run_scoped3A = tpu.sem_alloc : memref<!tpu.dma_semaphore, #tpu.memory_space<semaphore_mem>>
      %dma_start3A_135 = arith.constant 0 : i32
      %dma_start3A_136 = tpu.memref_slice %arg3[%mul3A_44, %dma_start3A_135] : memref<4000x80xi32, #tpu.memory_space<hbm>> -> memref<250x80xi32, #tpu.memory_space<hbm>>
      %dma_start3A_137 = arith.constant 0 : i32
      %dma_start3A_138 = tpu.memref_slice %arg3[%mul3A_44, %dma_start3A_137] : memref<4000x80xi32, #tpu.memory_space<hbm>> -> memref<250x80xi32, #tpu.memory_space<hbm>>
      tpu.enqueue_dma source(%dma_start3A_138 : memref<250x80xi32, #tpu.memory_space<hbm>>) target(%arg7 : memref<250x80xi32, #tpu.memory_space<vmem>>) target_semaphore(%run_scoped3A : memref<!tpu.dma_semaphore, #tpu.memory_space<semaphore_mem>>)
      %dma_wait3A_139 = arith.constant 0 : i32
      %dma_wait3A_140 = tpu.memref_slice %arg3[%mul3A_44, %dma_wait3A_139] : memref<4000x80xi32, #tpu.memory_space<hbm>> -> memref<250x80xi32, #tpu.memory_space<hbm>>
      %dma_wait3A_141 = arith.constant 0 : i32
      %dma_wait3A_142 = tpu.memref_slice %arg3[%mul3A_44, %dma_wait3A_141] : memref<4000x80xi32, #tpu.memory_space<hbm>> -> memref<250x80xi32, #tpu.memory_space<hbm>>
      tpu.wait_dma2 semaphore(%run_scoped3A : memref<!tpu.dma_semaphore, #tpu.memory_space<semaphore_mem>>) src(%dma_wait3A_142 : memref<250x80xi32, #tpu.memory_space<hbm>>) dst(%arg7 : memref<250x80xi32, #tpu.memory_space<vmem>>)
      tpu.yield
    }) : () -> ()
    %mul3A_45 = arith.constant 250 : i32
    %mul3A_46 = arith.muli %arg1, %mul3A_45 : i32
    "tpu.region"() ({
      %run_scoped3A = tpu.sem_alloc : memref<!tpu.dma_semaphore, #tpu.memory_space<semaphore_mem>>
      %dma_start3A_135 = arith.constant 0 : i32
      %dma_start3A_136 = tpu.memref_slice %arg4[%mul3A_46, %dma_start3A_135] : memref<4000x80xi32, #tpu.memory_space<hbm>> -> memref<250x80xi32, #tpu.memory_space<hbm>>
      %dma_start3A_137 = arith.constant 0 : i32
      %dma_start3A_138 = tpu.memref_slice %arg4[%mul3A_46, %dma_start3A_137] : memref<4000x80xi32, #tpu.memory_space<hbm>> -> memref<250x80xi32, #tpu.memory_space<hbm>>
      tpu.enqueue_dma source(%dma_start3A_138 : memref<250x80xi32, #tpu.memory_space<hbm>>) target(%arg8 : memref<250x80xi32, #tpu.memory_space<vmem>>) target_semaphore(%run_scoped3A : memref<!tpu.dma_semaphore, #tpu.memory_space<semaphore_mem>>)
      %dma_wait3A_139 = arith.constant 0 : i32
      %dma_wait3A_140 = tpu.memref_slice %arg4[%mul3A_46, %dma_wait3A_139] : memref<4000x80xi32, #tpu.memory_space<hbm>> -> memref<250x80xi32, #tpu.memory_space<hbm>>
      %dma_wait3A_141 = arith.constant 0 : i32
      %dma_wait3A_142 = tpu.memref_slice %arg4[%mul3A_46, %dma_wait3A_141] : memref<4000x80xi32, #tpu.memory_space<hbm>> -> memref<250x80xi32, #tpu.memory_space<hbm>>
      tpu.wait_dma2 semaphore(%run_scoped3A : memref<!tpu.dma_semaphore, #tpu.memory_space<semaphore_mem>>) src(%dma_wait3A_142 : memref<250x80xi32, #tpu.memory_space<hbm>>) dst(%arg8 : memref<250x80xi32, #tpu.memory_space<vmem>>)
      tpu.yield
    }) : () -> ()
    %dma_start3A = arith.constant 0 : i32
    %dma_start3A_47 = arith.constant 0 : i32
    %dma_start3A_48 = arith.constant 0 : i32
    %dma_start3A_49 = arith.constant 0 : i32
    %dma_start3A_50 = arith.constant 0 : i32
    %dma_start3A_51 = tpu.memref_slice %arg9[%dma_start3A_47, %dma_start3A_49, %dma_start3A_50] : memref<4x80x64xf32, #tpu.memory_space<vmem>> -> memref<1x80x64xf32, #tpu.memory_space<vmem>>
    %dma_start3A_52 = tpu.memref_squeeze %dma_start3A_51 : memref<1x80x64xf32, #tpu.memory_space<vmem>> -> memref<80x64xf32, #tpu.memory_space<vmem>>
    %dma_start3A_53 = arith.constant 0 : i32
    %dma_start3A_54 = tpu.memref_slice %arg7[%dma_start3A, %dma_start3A_53] : memref<250x80xi32, #tpu.memory_space<vmem>> -> memref<1x80xi32, #tpu.memory_space<vmem>>
    %dma_start3A_55 = tpu.memref_squeeze %dma_start3A_54 : memref<1x80xi32, #tpu.memory_space<vmem>> -> memref<80xi32, #tpu.memory_space<vmem>>
    %dma_start3A_56 = arith.constant 0 : i32
    %dma_start3A_57 = arith.constant 0 : i32
    %dma_start3A_58 = tpu.memref_slice %arg2[%arg0, %dma_start3A_56, %dma_start3A_57] : memref<2x10000x64xf32, #tpu.memory_space<hbm>> -> memref<1x10000x64xf32, #tpu.memory_space<hbm>>
    %dma_start3A_59 = tpu.memref_squeeze %dma_start3A_58 : memref<1x10000x64xf32, #tpu.memory_space<hbm>> -> memref<10000x64xf32, #tpu.memory_space<hbm>>
    %dma_start3A_60 = arith.constant 0 : i32
    %dma_start3A_61 = arith.constant 0 : i32
    %dma_start3A_62 = tpu.memref_slice %dma_start3A_59[%dma_start3A_60, %dma_start3A_61] : memref<10000x64xf32, #tpu.memory_space<hbm>> -> memref<10000x64xf32, #tpu.memory_space<hbm>>
    %dma_start3A_63 = tpu.memref_slice %arg15[%dma_start3A_48] : memref<4x!tpu.dma_semaphore, #tpu.memory_space<semaphore_mem>> -> memref<1x!tpu.dma_semaphore, #tpu.memory_space<semaphore_mem>>
    %dma_start3A_64 = tpu.memref_squeeze %dma_start3A_63 : memref<1x!tpu.dma_semaphore, #tpu.memory_space<semaphore_mem>> -> memref<!tpu.dma_semaphore, #tpu.memory_space<semaphore_mem>>
    tpu.enqueue_indirect_dma source(%dma_start3A_62 : memref<10000x64xf32, #tpu.memory_space<hbm>>) target(%dma_start3A_52 : memref<80x64xf32, #tpu.memory_space<vmem>>) offsets(%dma_start3A_55 : memref<80xi32, #tpu.memory_space<vmem>>) semaphore(%dma_start3A_64 : memref<!tpu.dma_semaphore, #tpu.memory_space<semaphore_mem>>)
    %dma_start3A_65 = arith.constant 1 : i32
    %dma_start3A_66 = arith.constant 1 : i32
    %dma_start3A_67 = arith.constant 1 : i32
    %dma_start3A_68 = arith.constant 0 : i32
    %dma_start3A_69 = arith.constant 0 : i32
    %dma_start3A_70 = tpu.memref_slice %arg9[%dma_start3A_66, %dma_start3A_68, %dma_start3A_69] : memref<4x80x64xf32, #tpu.memory_space<vmem>> -> memref<1x80x64xf32, #tpu.memory_space<vmem>>
    %dma_start3A_71 = tpu.memref_squeeze %dma_start3A_70 : memref<1x80x64xf32, #tpu.memory_space<vmem>> -> memref<80x64xf32, #tpu.memory_space<vmem>>
    %dma_start3A_72 = arith.constant 0 : i32
    %dma_start3A_73 = tpu.memref_slice %arg7[%dma_start3A_65, %dma_start3A_72] : memref<250x80xi32, #tpu.memory_space<vmem>> -> memref<1x80xi32, #tpu.memory_space<vmem>>
    %dma_start3A_74 = tpu.memref_squeeze %dma_start3A_73 : memref<1x80xi32, #tpu.memory_space<vmem>> -> memref<80xi32, #tpu.memory_space<vmem>>
    %dma_start3A_75 = arith.constant 0 : i32
    %dma_start3A_76 = arith.constant 0 : i32
    %dma_start3A_77 = tpu.memref_slice %arg2[%arg0, %dma_start3A_75, %dma_start3A_76] : memref<2x10000x64xf32, #tpu.memory_space<hbm>> -> memref<1x10000x64xf32, #tpu.memory_space<hbm>>
    %dma_start3A_78 = tpu.memref_squeeze %dma_start3A_77 : memref<1x10000x64xf32, #tpu.memory_space<hbm>> -> memref<10000x64xf32, #tpu.memory_space<hbm>>
    %dma_start3A_79 = arith.constant 0 : i32
    %dma_start3A_80 = arith.constant 0 : i32
    %dma_start3A_81 = tpu.memref_slice %dma_start3A_78[%dma_start3A_79, %dma_start3A_80] : memref<10000x64xf32, #tpu.memory_space<hbm>> -> memref<10000x64xf32, #tpu.memory_space<hbm>>
    %dma_start3A_82 = tpu.memref_slice %arg15[%dma_start3A_67] : memref<4x!tpu.dma_semaphore, #tpu.memory_space<semaphore_mem>> -> memref<1x!tpu.dma_semaphore, #tpu.memory_space<semaphore_mem>>
    %dma_start3A_83 = tpu.memref_squeeze %dma_start3A_82 : memref<1x!tpu.dma_semaphore, #tpu.memory_space<semaphore_mem>> -> memref<!tpu.dma_semaphore, #tpu.memory_space<semaphore_mem>>
    tpu.enqueue_indirect_dma source(%dma_start3A_81 : memref<10000x64xf32, #tpu.memory_space<hbm>>) target(%dma_start3A_71 : memref<80x64xf32, #tpu.memory_space<vmem>>) offsets(%dma_start3A_74 : memref<80xi32, #tpu.memory_space<vmem>>) semaphore(%dma_start3A_83 : memref<!tpu.dma_semaphore, #tpu.memory_space<semaphore_mem>>)
    %scan3A_84 = arith.constant 0 : i32
    %scan3A_85 = arith.constant 0 : i32
    %scan3A_86 = arith.constant 250 : i32
    %scan3A_87 = arith.addi %scan3A_85, %scan3A_86 : i32
    %scan3A_88 = arith.constant 1 : i32
    %scan3A_89 = scf.for %scan3A_135 = %scan3A_85 to %scan3A_87 step %scan3A_88 iter_args(%scan3A_136 = %scan3A_84) -> (i32)  : i32 {
      %ge3A = arith.constant 2 : i32
      %ge3A_137 = arith.cmpi sge, %scan3A_135, %ge3A : i32
      %convert_element_type3A = arith.extui %ge3A_137 : i1 to i32
      %cond3A = arith.constant 0 : i32
      %cond3A_138 = arith.cmpi ne, %convert_element_type3A, %cond3A : i32
      scf.if %cond3A_138 {
        %sub3A = arith.constant 2 : i32
        %sub3A_276 = arith.subi %scan3A_135, %sub3A : i32
        %jit3A_277 = arith.constant 4 : i32
        %eq3A_278 = arith.constant 0 : i32
        %eq3A_279 = arith.cmpi eq, %jit3A_277, %eq3A_278 : i32
        %jit3A_280 = arith.constant 1 : i32
        %select_n3A_281 = arith.select %eq3A_279, %jit3A_280, %jit3A_277 : i32
        %rem3A_282 = arith.remsi %sub3A_276, %select_n3A_281 : i32
        %ne3A_283 = arith.constant 0 : i32
        %ne3A_284 = arith.cmpi ne, %rem3A_282, %ne3A_283 : i32
        %lt3A_285 = arith.constant 0 : i32
        %lt3A_286 = arith.cmpi slt, %rem3A_282, %lt3A_285 : i32
        %lt3A_287 = arith.constant 0 : i32
        %lt3A_288 = arith.cmpi slt, %select_n3A_281, %lt3A_287 : i32
        %ne3A_289 = arith.xori %lt3A_286, %lt3A_288 : i1
        %and3A_290 = arith.andi %ne3A_289, %ne3A_284 : i1
        %add3A_291 = arith.addi %rem3A_282, %select_n3A_281 : i32
        %select_n3A_292 = arith.select %and3A_290, %add3A_291, %rem3A_282 : i32
        %jit3A_293 = arith.constant 4 : i32
        %eq3A_294 = arith.constant 0 : i32
        %eq3A_295 = arith.cmpi eq, %jit3A_293, %eq3A_294 : i32
        %jit3A_296 = arith.constant 1 : i32
        %select_n3A_297 = arith.select %eq3A_295, %jit3A_296, %jit3A_293 : i32
        %rem3A_298 = arith.remsi %sub3A_276, %select_n3A_297 : i32
        %ne3A_299 = arith.constant 0 : i32
        %ne3A_300 = arith.cmpi ne, %rem3A_298, %ne3A_299 : i32
        %lt3A_301 = arith.constant 0 : i32
        %lt3A_302 = arith.cmpi slt, %rem3A_298, %lt3A_301 : i32
        %lt3A_303 = arith.constant 0 : i32
        %lt3A_304 = arith.cmpi slt, %select_n3A_297, %lt3A_303 : i32
        %ne3A_305 = arith.xori %lt3A_302, %lt3A_304 : i1
        %and3A_306 = arith.andi %ne3A_305, %ne3A_300 : i1
        %add3A_307 = arith.addi %rem3A_298, %select_n3A_297 : i32
        %select_n3A_308 = arith.select %and3A_306, %add3A_307, %rem3A_298 : i32
        %dma_wait3A_309 = arith.constant 0 : i32
        %dma_wait3A_310 = arith.constant 0 : i32
        %dma_wait3A_311 = tpu.memref_slice %arg9[%select_n3A_292, %dma_wait3A_309, %dma_wait3A_310] : memref<4x80x64xf32, #tpu.memory_space<vmem>> -> memref<1x80x64xf32, #tpu.memory_space<vmem>>
        %dma_wait3A_312 = tpu.memref_squeeze %dma_wait3A_311 : memref<1x80x64xf32, #tpu.memory_space<vmem>> -> memref<80x64xf32, #tpu.memory_space<vmem>>
        %dma_wait3A_313 = arith.constant 0 : i32
        %dma_wait3A_314 = arith.constant 0 : i32
        %dma_wait3A_315 = tpu.memref_slice %arg13[%dma_wait3A_313, %dma_wait3A_314] : memref<10000x64xf32, #tpu.memory_space<vmem_shared>> -> memref<80x64xf32, #tpu.memory_space<vmem_shared>>
        %dma_wait3A_316 = tpu.memref_slice %arg16[%select_n3A_308] : memref<4x!tpu.dma_semaphore, #tpu.memory_space<semaphore_mem>> -> memref<1x!tpu.dma_semaphore, #tpu.memory_space<semaphore_mem>>
        %dma_wait3A_317 = tpu.memref_squeeze %dma_wait3A_316 : memref<1x!tpu.dma_semaphore, #tpu.memory_space<semaphore_mem>> -> memref<!tpu.dma_semaphore, #tpu.memory_space<semaphore_mem>>
        %dma_wait3A_318 = arith.constant 0 : i32
        %dma_wait3A_319 = arith.constant 0 : i32
        %dma_wait3A_320 = tpu.memref_slice %arg13[%dma_wait3A_318, %dma_wait3A_319] : memref<10000x64xf32, #tpu.memory_space<vmem_shared>> -> memref<80x64xf32, #tpu.memory_space<vmem_shared>>
        %dma_wait3A_321 = arith.constant 0 : i32
        %dma_wait3A_322 = arith.constant 0 : i32
        %dma_wait3A_323 = tpu.memref_slice %arg9[%select_n3A_292, %dma_wait3A_321, %dma_wait3A_322] : memref<4x80x64xf32, #tpu.memory_space<vmem>> -> memref<1x80x64xf32, #tpu.memory_space<vmem>>
        %dma_wait3A_324 = tpu.memref_squeeze %dma_wait3A_323 : memref<1x80x64xf32, #tpu.memory_space<vmem>> -> memref<80x64xf32, #tpu.memory_space<vmem>>
        tpu.wait_dma2 semaphore(%dma_wait3A_317 : memref<!tpu.dma_semaphore, #tpu.memory_space<semaphore_mem>>) src(%dma_wait3A_324 : memref<80x64xf32, #tpu.memory_space<vmem>>) dst(%dma_wait3A_320 : memref<80x64xf32, #tpu.memory_space<vmem_shared>>)
      } else {
      }
      %jit3A = arith.constant 2 : i32
      %eq3A = arith.constant 0 : i32
      %eq3A_139 = arith.cmpi eq, %jit3A, %eq3A : i32
      %jit3A_140 = arith.constant 1 : i32
      %select_n3A = arith.select %eq3A_139, %jit3A_140, %jit3A : i32
      %rem3A = arith.remsi %scan3A_135, %select_n3A : i32
      %ne3A = arith.constant 0 : i32
      %ne3A_141 = arith.cmpi ne, %rem3A, %ne3A : i32
      %lt3A = arith.constant 0 : i32
      %lt3A_142 = arith.cmpi slt, %rem3A, %lt3A : i32
      %lt3A_143 = arith.constant 0 : i32
      %lt3A_144 = arith.cmpi slt, %select_n3A, %lt3A_143 : i32
      %ne3A_145 = arith.xori %lt3A_142, %lt3A_144 : i1
      %and3A = arith.andi %ne3A_145, %ne3A_141 : i1
      %add3A_146 = arith.addi %rem3A, %select_n3A : i32
      %select_n3A_147 = arith.select %and3A, %add3A_146, %rem3A : i32
      %eq3A_148 = arith.cmpi eq, %select_n3A_147, %arg0 : i32
      %ge3A_149 = arith.constant 2 : i32
      %ge3A_150 = arith.cmpi sge, %scan3A_135, %ge3A_149 : i32
      %and3A_151 = arith.andi %eq3A_148, %ge3A_150 : i1
      %convert_element_type3A_152 = arith.extui %and3A_151 : i1 to i32
      %cond3A_153 = arith.constant 0 : i32
      %cond3A_154 = arith.cmpi ne, %convert_element_type3A_152, %cond3A_153 : i32
      scf.if %cond3A_154 {
        %dma_wait3A_276 = arith.constant 0 : i32
        %dma_wait3A_277 = arith.constant 0 : i32
        %dma_wait3A_278 = tpu.memref_slice %arg14[%dma_wait3A_276, %dma_wait3A_277] : memref<10000x16xf32, #tpu.memory_space<vmem_shared>> -> memref<80x16xf32, #tpu.memory_space<vmem_shared>>
        %dma_wait3A_279 = arith.constant 0 : i32
        %dma_wait3A_280 = arith.constant 0 : i32
        %dma_wait3A_281 = tpu.memref_slice %arg14[%dma_wait3A_279, %dma_wait3A_280] : memref<10000x16xf32, #tpu.memory_space<vmem_shared>> -> memref<80x16xf32, #tpu.memory_space<vmem_shared>>
        tpu.wait_dma2 semaphore(%arg17 : memref<!tpu.dma_semaphore, #tpu.memory_space<semaphore_mem>>) src(%arg10 : memref<80x16xf32, #tpu.memory_space<vmem>>) dst(%dma_wait3A_281 : memref<80x16xf32, #tpu.memory_space<vmem_shared>>)
      } else {
      }
      %jit3A_155 = arith.constant 4 : i32
      %eq3A_156 = arith.constant 0 : i32
      %eq3A_157 = arith.cmpi eq, %jit3A_155, %eq3A_156 : i32
      %jit3A_158 = arith.constant 1 : i32
      %select_n3A_159 = arith.select %eq3A_157, %jit3A_158, %jit3A_155 : i32
      %rem3A_160 = arith.remsi %scan3A_135, %select_n3A_159 : i32
      %ne3A_161 = arith.constant 0 : i32
      %ne3A_162 = arith.cmpi ne, %rem3A_160, %ne3A_161 : i32
      %lt3A_163 = arith.constant 0 : i32
      %lt3A_164 = arith.cmpi slt, %rem3A_160, %lt3A_163 : i32
      %lt3A_165 = arith.constant 0 : i32
      %lt3A_166 = arith.cmpi slt, %select_n3A_159, %lt3A_165 : i32
      %ne3A_167 = arith.xori %lt3A_164, %lt3A_166 : i1
      %and3A_168 = arith.andi %ne3A_167, %ne3A_162 : i1
      %add3A_169 = arith.addi %rem3A_160, %select_n3A_159 : i32
      %select_n3A_170 = arith.select %and3A_168, %add3A_169, %rem3A_160 : i32
      %jit3A_171 = arith.constant 4 : i32
      %eq3A_172 = arith.constant 0 : i32
      %eq3A_173 = arith.cmpi eq, %jit3A_171, %eq3A_172 : i32
      %jit3A_174 = arith.constant 1 : i32
      %select_n3A_175 = arith.select %eq3A_173, %jit3A_174, %jit3A_171 : i32
      %rem3A_176 = arith.remsi %scan3A_135, %select_n3A_175 : i32
      %ne3A_177 = arith.constant 0 : i32
      %ne3A_178 = arith.cmpi ne, %rem3A_176, %ne3A_177 : i32
      %lt3A_179 = arith.constant 0 : i32
      %lt3A_180 = arith.cmpi slt, %rem3A_176, %lt3A_179 : i32
      %lt3A_181 = arith.constant 0 : i32
      %lt3A_182 = arith.cmpi slt, %select_n3A_175, %lt3A_181 : i32
      %ne3A_183 = arith.xori %lt3A_180, %lt3A_182 : i1
      %and3A_184 = arith.andi %ne3A_183, %ne3A_178 : i1
      %add3A_185 = arith.addi %rem3A_176, %select_n3A_175 : i32
      %select_n3A_186 = arith.select %and3A_184, %add3A_185, %rem3A_176 : i32
      %dma_wait3A_187 = arith.constant 0 : i32
      %dma_wait3A_188 = arith.constant 0 : i32
      %dma_wait3A_189 = arith.constant 0 : i32
      %dma_wait3A_190 = tpu.memref_slice %arg9[%select_n3A_170, %dma_wait3A_188, %dma_wait3A_189] : memref<4x80x64xf32, #tpu.memory_space<vmem>> -> memref<1x80x64xf32, #tpu.memory_space<vmem>>
      %dma_wait3A_191 = tpu.memref_squeeze %dma_wait3A_190 : memref<1x80x64xf32, #tpu.memory_space<vmem>> -> memref<80x64xf32, #tpu.memory_space<vmem>>
      %dma_wait3A_192 = arith.constant 0 : i32
      %dma_wait3A_193 = tpu.memref_slice %arg7[%dma_wait3A_187, %dma_wait3A_192] : memref<250x80xi32, #tpu.memory_space<vmem>> -> memref<1x80xi32, #tpu.memory_space<vmem>>
      %dma_wait3A_194 = tpu.memref_squeeze %dma_wait3A_193 : memref<1x80xi32, #tpu.memory_space<vmem>> -> memref<80xi32, #tpu.memory_space<vmem>>
      %dma_wait3A_195 = arith.constant 0 : i32
      %dma_wait3A_196 = arith.constant 0 : i32
      %dma_wait3A_197 = tpu.memref_slice %arg2[%arg0, %dma_wait3A_195, %dma_wait3A_196] : memref<2x10000x64xf32, #tpu.memory_space<hbm>> -> memref<1x10000x64xf32, #tpu.memory_space<hbm>>
      %dma_wait3A_198 = tpu.memref_squeeze %dma_wait3A_197 : memref<1x10000x64xf32, #tpu.memory_space<hbm>> -> memref<10000x64xf32, #tpu.memory_space<hbm>>
      %dma_wait3A_199 = arith.constant 0 : i32
      %dma_wait3A_200 = arith.constant 0 : i32
      %dma_wait3A_201 = tpu.memref_slice %dma_wait3A_198[%dma_wait3A_199, %dma_wait3A_200] : memref<10000x64xf32, #tpu.memory_space<hbm>> -> memref<10000x64xf32, #tpu.memory_space<hbm>>
      %dma_wait3A_202 = tpu.memref_slice %arg15[%select_n3A_186] : memref<4x!tpu.dma_semaphore, #tpu.memory_space<semaphore_mem>> -> memref<1x!tpu.dma_semaphore, #tpu.memory_space<semaphore_mem>>
      %dma_wait3A_203 = tpu.memref_squeeze %dma_wait3A_202 : memref<1x!tpu.dma_semaphore, #tpu.memory_space<semaphore_mem>> -> memref<!tpu.dma_semaphore, #tpu.memory_space<semaphore_mem>>
      tpu.wait_indirect_dma semaphore(%dma_wait3A_203 : memref<!tpu.dma_semaphore, #tpu.memory_space<semaphore_mem>>) src(%dma_wait3A_201 : memref<10000x64xf32, #tpu.memory_space<hbm>>) dst(%dma_wait3A_191 : memref<80x64xf32, #tpu.memory_space<vmem>>)
      %add3A_204 = arith.constant 2 : i32
      %add3A_205 = arith.addi %scan3A_135, %add3A_204 : i32
      %lt3A_206 = arith.constant 250 : i32
      %lt3A_207 = arith.cmpi slt, %add3A_205, %lt3A_206 : i32
      %convert_element_type3A_208 = arith.extui %lt3A_207 : i1 to i32
      %cond3A_209 = arith.constant 0 : i32
      %cond3A_210 = arith.cmpi ne, %convert_element_type3A_208, %cond3A_209 : i32
      scf.if %cond3A_210 {
        %add3A_276 = arith.constant 2 : i32
        %add3A_277 = arith.addi %scan3A_135, %add3A_276 : i32
        %jit3A_278 = arith.constant 4 : i32
        %eq3A_279 = arith.constant 0 : i32
        %eq3A_280 = arith.cmpi eq, %jit3A_278, %eq3A_279 : i32
        %jit3A_281 = arith.constant 1 : i32
        %select_n3A_282 = arith.select %eq3A_280, %jit3A_281, %jit3A_278 : i32
        %rem3A_283 = arith.remsi %add3A_277, %select_n3A_282 : i32
        %ne3A_284 = arith.constant 0 : i32
        %ne3A_285 = arith.cmpi ne, %rem3A_283, %ne3A_284 : i32
        %lt3A_286 = arith.constant 0 : i32
        %lt3A_287 = arith.cmpi slt, %rem3A_283, %lt3A_286 : i32
        %lt3A_288 = arith.constant 0 : i32
        %lt3A_289 = arith.cmpi slt, %select_n3A_282, %lt3A_288 : i32
        %ne3A_290 = arith.xori %lt3A_287, %lt3A_289 : i1
        %and3A_291 = arith.andi %ne3A_290, %ne3A_285 : i1
        %add3A_292 = arith.addi %rem3A_283, %select_n3A_282 : i32
        %select_n3A_293 = arith.select %and3A_291, %add3A_292, %rem3A_283 : i32
        %jit3A_294 = arith.constant 4 : i32
        %eq3A_295 = arith.constant 0 : i32
        %eq3A_296 = arith.cmpi eq, %jit3A_294, %eq3A_295 : i32
        %jit3A_297 = arith.constant 1 : i32
        %select_n3A_298 = arith.select %eq3A_296, %jit3A_297, %jit3A_294 : i32
        %rem3A_299 = arith.remsi %add3A_277, %select_n3A_298 : i32
        %ne3A_300 = arith.constant 0 : i32
        %ne3A_301 = arith.cmpi ne, %rem3A_299, %ne3A_300 : i32
        %lt3A_302 = arith.constant 0 : i32
        %lt3A_303 = arith.cmpi slt, %rem3A_299, %lt3A_302 : i32
        %lt3A_304 = arith.constant 0 : i32
        %lt3A_305 = arith.cmpi slt, %select_n3A_298, %lt3A_304 : i32
        %ne3A_306 = arith.xori %lt3A_303, %lt3A_305 : i1
        %and3A_307 = arith.andi %ne3A_306, %ne3A_301 : i1
        %add3A_308 = arith.addi %rem3A_299, %select_n3A_298 : i32
        %select_n3A_309 = arith.select %and3A_307, %add3A_308, %rem3A_299 : i32
        %dma_start3A_310 = arith.constant 0 : i32
        %dma_start3A_311 = arith.constant 0 : i32
        %dma_start3A_312 = tpu.memref_slice %arg9[%select_n3A_293, %dma_start3A_310, %dma_start3A_311] : memref<4x80x64xf32, #tpu.memory_space<vmem>> -> memref<1x80x64xf32, #tpu.memory_space<vmem>>
        %dma_start3A_313 = tpu.memref_squeeze %dma_start3A_312 : memref<1x80x64xf32, #tpu.memory_space<vmem>> -> memref<80x64xf32, #tpu.memory_space<vmem>>
        %dma_start3A_314 = arith.constant 0 : i32
        %dma_start3A_315 = tpu.memref_slice %arg7[%add3A_277, %dma_start3A_314] : memref<250x80xi32, #tpu.memory_space<vmem>> -> memref<1x80xi32, #tpu.memory_space<vmem>>
        %dma_start3A_316 = tpu.memref_squeeze %dma_start3A_315 : memref<1x80xi32, #tpu.memory_space<vmem>> -> memref<80xi32, #tpu.memory_space<vmem>>
        %dma_start3A_317 = arith.constant 0 : i32
        %dma_start3A_318 = arith.constant 0 : i32
        %dma_start3A_319 = tpu.memref_slice %arg2[%arg0, %dma_start3A_317, %dma_start3A_318] : memref<2x10000x64xf32, #tpu.memory_space<hbm>> -> memref<1x10000x64xf32, #tpu.memory_space<hbm>>
        %dma_start3A_320 = tpu.memref_squeeze %dma_start3A_319 : memref<1x10000x64xf32, #tpu.memory_space<hbm>> -> memref<10000x64xf32, #tpu.memory_space<hbm>>
        %dma_start3A_321 = arith.constant 0 : i32
        %dma_start3A_322 = arith.constant 0 : i32
        %dma_start3A_323 = tpu.memref_slice %dma_start3A_320[%dma_start3A_321, %dma_start3A_322] : memref<10000x64xf32, #tpu.memory_space<hbm>> -> memref<10000x64xf32, #tpu.memory_space<hbm>>
        %dma_start3A_324 = tpu.memref_slice %arg15[%select_n3A_309] : memref<4x!tpu.dma_semaphore, #tpu.memory_space<semaphore_mem>> -> memref<1x!tpu.dma_semaphore, #tpu.memory_space<semaphore_mem>>
        %dma_start3A_325 = tpu.memref_squeeze %dma_start3A_324 : memref<1x!tpu.dma_semaphore, #tpu.memory_space<semaphore_mem>> -> memref<!tpu.dma_semaphore, #tpu.memory_space<semaphore_mem>>
        tpu.enqueue_indirect_dma source(%dma_start3A_323 : memref<10000x64xf32, #tpu.memory_space<hbm>>) target(%dma_start3A_313 : memref<80x64xf32, #tpu.memory_space<vmem>>) offsets(%dma_start3A_316 : memref<80xi32, #tpu.memory_space<vmem>>) semaphore(%dma_start3A_325 : memref<!tpu.dma_semaphore, #tpu.memory_space<semaphore_mem>>)
      } else {
      }
      %jit3A_211 = arith.constant 4 : i32
      %eq3A_212 = arith.constant 0 : i32
      %eq3A_213 = arith.cmpi eq, %jit3A_211, %eq3A_212 : i32
      %jit3A_214 = arith.constant 1 : i32
      %select_n3A_215 = arith.select %eq3A_213, %jit3A_214, %jit3A_211 : i32
      %rem3A_216 = arith.remsi %scan3A_135, %select_n3A_215 : i32
      %ne3A_217 = arith.constant 0 : i32
      %ne3A_218 = arith.cmpi ne, %rem3A_216, %ne3A_217 : i32
      %lt3A_219 = arith.constant 0 : i32
      %lt3A_220 = arith.cmpi slt, %rem3A_216, %lt3A_219 : i32
      %lt3A_221 = arith.constant 0 : i32
      %lt3A_222 = arith.cmpi slt, %select_n3A_215, %lt3A_221 : i32
      %ne3A_223 = arith.xori %lt3A_220, %lt3A_222 : i1
      %and3A_224 = arith.andi %ne3A_223, %ne3A_218 : i1
      %add3A_225 = arith.addi %rem3A_216, %select_n3A_215 : i32
      %select_n3A_226 = arith.select %and3A_224, %add3A_225, %rem3A_216 : i32
      %jit3A_227 = arith.constant 4 : i32
      %eq3A_228 = arith.constant 0 : i32
      %eq3A_229 = arith.cmpi eq, %jit3A_227, %eq3A_228 : i32
      %jit3A_230 = arith.constant 1 : i32
      %select_n3A_231 = arith.select %eq3A_229, %jit3A_230, %jit3A_227 : i32
      %rem3A_232 = arith.remsi %scan3A_135, %select_n3A_231 : i32
      %ne3A_233 = arith.constant 0 : i32
      %ne3A_234 = arith.cmpi ne, %rem3A_232, %ne3A_233 : i32
      %lt3A_235 = arith.constant 0 : i32
      %lt3A_236 = arith.cmpi slt, %rem3A_232, %lt3A_235 : i32
      %lt3A_237 = arith.constant 0 : i32
      %lt3A_238 = arith.cmpi slt, %select_n3A_231, %lt3A_237 : i32
      %ne3A_239 = arith.xori %lt3A_236, %lt3A_238 : i1
      %and3A_240 = arith.andi %ne3A_239, %ne3A_234 : i1
      %add3A_241 = arith.addi %rem3A_232, %select_n3A_231 : i32
      %select_n3A_242 = arith.select %and3A_240, %add3A_241, %rem3A_232 : i32
      %dma_start3A_243 = arith.constant 0 : i32
      %dma_start3A_244 = arith.constant 0 : i32
      %dma_start3A_245 = tpu.memref_slice %arg9[%select_n3A_226, %dma_start3A_243, %dma_start3A_244] : memref<4x80x64xf32, #tpu.memory_space<vmem>> -> memref<1x80x64xf32, #tpu.memory_space<vmem>>
      %dma_start3A_246 = tpu.memref_squeeze %dma_start3A_245 : memref<1x80x64xf32, #tpu.memory_space<vmem>> -> memref<80x64xf32, #tpu.memory_space<vmem>>
      %dma_start3A_247 = arith.constant 0 : i32
      %dma_start3A_248 = tpu.memref_slice %arg8[%scan3A_135, %dma_start3A_247] : memref<250x80xi32, #tpu.memory_space<vmem>> -> memref<1x80xi32, #tpu.memory_space<vmem>>
      %dma_start3A_249 = tpu.memref_squeeze %dma_start3A_248 : memref<1x80xi32, #tpu.memory_space<vmem>> -> memref<80xi32, #tpu.memory_space<vmem>>
      %dma_start3A_250 = arith.constant 0 : i32
      %dma_start3A_251 = arith.constant 0 : i32
      %dma_start3A_252 = tpu.memref_slice %arg13[%dma_start3A_250, %dma_start3A_251] : memref<10000x64xf32, #tpu.memory_space<vmem_shared>> -> memref<10000x64xf32, #tpu.memory_space<vmem_shared>>
      %dma_start3A_253 = tpu.memref_slice %arg16[%select_n3A_242] : memref<4x!tpu.dma_semaphore, #tpu.memory_space<semaphore_mem>> -> memref<1x!tpu.dma_semaphore, #tpu.memory_space<semaphore_mem>>
      %dma_start3A_254 = tpu.memref_squeeze %dma_start3A_253 : memref<1x!tpu.dma_semaphore, #tpu.memory_space<semaphore_mem>> -> memref<!tpu.dma_semaphore, #tpu.memory_space<semaphore_mem>>
      tpu.enqueue_indirect_dma source(%dma_start3A_246 : memref<80x64xf32, #tpu.memory_space<vmem>>) target(%dma_start3A_252 : memref<10000x64xf32, #tpu.memory_space<vmem_shared>>) offsets(%dma_start3A_249 : memref<80xi32, #tpu.memory_space<vmem>>) semaphore(%dma_start3A_254 : memref<!tpu.dma_semaphore, #tpu.memory_space<semaphore_mem>>) {add = true}
      %jit3A_255 = arith.constant 2 : i32
      %eq3A_256 = arith.constant 0 : i32
      %eq3A_257 = arith.cmpi eq, %jit3A_255, %eq3A_256 : i32
      %jit3A_258 = arith.constant 1 : i32
      %select_n3A_259 = arith.select %eq3A_257, %jit3A_258, %jit3A_255 : i32
      %rem3A_260 = arith.remsi %scan3A_135, %select_n3A_259 : i32
      %ne3A_261 = arith.constant 0 : i32
      %ne3A_262 = arith.cmpi ne, %rem3A_260, %ne3A_261 : i32
      %lt3A_263 = arith.constant 0 : i32
      %lt3A_264 = arith.cmpi slt, %rem3A_260, %lt3A_263 : i32
      %lt3A_265 = arith.constant 0 : i32
      %lt3A_266 = arith.cmpi slt, %select_n3A_259, %lt3A_265 : i32
      %ne3A_267 = arith.xori %lt3A_264, %lt3A_266 : i1
      %and3A_268 = arith.andi %ne3A_267, %ne3A_262 : i1
      %add3A_269 = arith.addi %rem3A_260, %select_n3A_259 : i32
      %select_n3A_270 = arith.select %and3A_268, %add3A_269, %rem3A_260 : i32
      %eq3A_271 = arith.cmpi eq, %select_n3A_270, %arg0 : i32
      %convert_element_type3A_272 = arith.extui %eq3A_271 : i1 to i32
      %cond3A_273 = arith.constant 0 : i32
      %cond3A_274 = arith.cmpi ne, %convert_element_type3A_272, %cond3A_273 : i32
      scf.if %cond3A_274 {
        %dma_start3A_276 = arith.constant 0 : i32
        %dma_start3A_277 = tpu.memref_slice %arg8[%scan3A_135, %dma_start3A_276] : memref<250x80xi32, #tpu.memory_space<vmem>> -> memref<1x80xi32, #tpu.memory_space<vmem>>
        %dma_start3A_278 = tpu.memref_squeeze %dma_start3A_277 : memref<1x80xi32, #tpu.memory_space<vmem>> -> memref<80xi32, #tpu.memory_space<vmem>>
        %dma_start3A_279 = arith.constant 0 : i32
        %dma_start3A_280 = arith.constant 0 : i32
        %dma_start3A_281 = tpu.memref_slice %arg14[%dma_start3A_279, %dma_start3A_280] : memref<10000x16xf32, #tpu.memory_space<vmem_shared>> -> memref<10000x16xf32, #tpu.memory_space<vmem_shared>>
        tpu.enqueue_indirect_dma source(%arg10 : memref<80x16xf32, #tpu.memory_space<vmem>>) target(%dma_start3A_281 : memref<10000x16xf32, #tpu.memory_space<vmem_shared>>) offsets(%dma_start3A_278 : memref<80xi32, #tpu.memory_space<vmem>>) semaphore(%arg17 : memref<!tpu.dma_semaphore, #tpu.memory_space<semaphore_mem>>) {add = true}
      } else {
      }
      %scan3A_275 = arith.constant 0 : i32
      scf.yield %scan3A_275 : i32
    }
    %scan3A_90 = arith.constant 250 : i32
    %dma_wait3A = arith.constant 0 : i32
    %dma_wait3A_91 = arith.constant 0 : i32
    %dma_wait3A_92 = arith.constant 0 : i32
    %dma_wait3A_93 = arith.constant 0 : i32
    %dma_wait3A_94 = tpu.memref_slice %arg9[%dma_wait3A, %dma_wait3A_92, %dma_wait3A_93] : memref<4x80x64xf32, #tpu.memory_space<vmem>> -> memref<1x80x64xf32, #tpu.memory_space<vmem>>
    %dma_wait3A_95 = tpu.memref_squeeze %dma_wait3A_94 : memref<1x80x64xf32, #tpu.memory_space<vmem>> -> memref<80x64xf32, #tpu.memory_space<vmem>>
    %dma_wait3A_96 = arith.constant 0 : i32
    %dma_wait3A_97 = arith.constant 0 : i32
    %dma_wait3A_98 = tpu.memref_slice %arg13[%dma_wait3A_96, %dma_wait3A_97] : memref<10000x64xf32, #tpu.memory_space<vmem_shared>> -> memref<80x64xf32, #tpu.memory_space<vmem_shared>>
    %dma_wait3A_99 = tpu.memref_slice %arg16[%dma_wait3A_91] : memref<4x!tpu.dma_semaphore, #tpu.memory_space<semaphore_mem>> -> memref<1x!tpu.dma_semaphore, #tpu.memory_space<semaphore_mem>>
    %dma_wait3A_100 = tpu.memref_squeeze %dma_wait3A_99 : memref<1x!tpu.dma_semaphore, #tpu.memory_space<semaphore_mem>> -> memref<!tpu.dma_semaphore, #tpu.memory_space<semaphore_mem>>
    %dma_wait3A_101 = arith.constant 0 : i32
    %dma_wait3A_102 = arith.constant 0 : i32
    %dma_wait3A_103 = tpu.memref_slice %arg13[%dma_wait3A_101, %dma_wait3A_102] : memref<10000x64xf32, #tpu.memory_space<vmem_shared>> -> memref<80x64xf32, #tpu.memory_space<vmem_shared>>
    %dma_wait3A_104 = arith.constant 0 : i32
    %dma_wait3A_105 = arith.constant 0 : i32
    %dma_wait3A_106 = tpu.memref_slice %arg9[%dma_wait3A, %dma_wait3A_104, %dma_wait3A_105] : memref<4x80x64xf32, #tpu.memory_space<vmem>> -> memref<1x80x64xf32, #tpu.memory_space<vmem>>
    %dma_wait3A_107 = tpu.memref_squeeze %dma_wait3A_106 : memref<1x80x64xf32, #tpu.memory_space<vmem>> -> memref<80x64xf32, #tpu.memory_space<vmem>>
    tpu.wait_dma2 semaphore(%dma_wait3A_100 : memref<!tpu.dma_semaphore, #tpu.memory_space<semaphore_mem>>) src(%dma_wait3A_107 : memref<80x64xf32, #tpu.memory_space<vmem>>) dst(%dma_wait3A_103 : memref<80x64xf32, #tpu.memory_space<vmem_shared>>)
    %dma_wait3A_108 = arith.constant 1 : i32
    %dma_wait3A_109 = arith.constant 1 : i32
    %dma_wait3A_110 = arith.constant 0 : i32
    %dma_wait3A_111 = arith.constant 0 : i32
    %dma_wait3A_112 = tpu.memref_slice %arg9[%dma_wait3A_108, %dma_wait3A_110, %dma_wait3A_111] : memref<4x80x64xf32, #tpu.memory_space<vmem>> -> memref<1x80x64xf32, #tpu.memory_space<vmem>>
    %dma_wait3A_113 = tpu.memref_squeeze %dma_wait3A_112 : memref<1x80x64xf32, #tpu.memory_space<vmem>> -> memref<80x64xf32, #tpu.memory_space<vmem>>
    %dma_wait3A_114 = arith.constant 0 : i32
    %dma_wait3A_115 = arith.constant 0 : i32
    %dma_wait3A_116 = tpu.memref_slice %arg13[%dma_wait3A_114, %dma_wait3A_115] : memref<10000x64xf32, #tpu.memory_space<vmem_shared>> -> memref<80x64xf32, #tpu.memory_space<vmem_shared>>
    %dma_wait3A_117 = tpu.memref_slice %arg16[%dma_wait3A_109] : memref<4x!tpu.dma_semaphore, #tpu.memory_space<semaphore_mem>> -> memref<1x!tpu.dma_semaphore, #tpu.memory_space<semaphore_mem>>
    %dma_wait3A_118 = tpu.memref_squeeze %dma_wait3A_117 : memref<1x!tpu.dma_semaphore, #tpu.memory_space<semaphore_mem>> -> memref<!tpu.dma_semaphore, #tpu.memory_space<semaphore_mem>>
    %dma_wait3A_119 = arith.constant 0 : i32
    %dma_wait3A_120 = arith.constant 0 : i32
    %dma_wait3A_121 = tpu.memref_slice %arg13[%dma_wait3A_119, %dma_wait3A_120] : memref<10000x64xf32, #tpu.memory_space<vmem_shared>> -> memref<80x64xf32, #tpu.memory_space<vmem_shared>>
    %dma_wait3A_122 = arith.constant 0 : i32
    %dma_wait3A_123 = arith.constant 0 : i32
    %dma_wait3A_124 = tpu.memref_slice %arg9[%dma_wait3A_108, %dma_wait3A_122, %dma_wait3A_123] : memref<4x80x64xf32, #tpu.memory_space<vmem>> -> memref<1x80x64xf32, #tpu.memory_space<vmem>>
    %dma_wait3A_125 = tpu.memref_squeeze %dma_wait3A_124 : memref<1x80x64xf32, #tpu.memory_space<vmem>> -> memref<80x64xf32, #tpu.memory_space<vmem>>
    tpu.wait_dma2 semaphore(%dma_wait3A_118 : memref<!tpu.dma_semaphore, #tpu.memory_space<semaphore_mem>>) src(%dma_wait3A_125 : memref<80x64xf32, #tpu.memory_space<vmem>>) dst(%dma_wait3A_121 : memref<80x64xf32, #tpu.memory_space<vmem_shared>>)
    %dma_wait3A_126 = arith.constant 0 : i32
    %dma_wait3A_127 = arith.constant 0 : i32
    %dma_wait3A_128 = tpu.memref_slice %arg14[%dma_wait3A_126, %dma_wait3A_127] : memref<10000x16xf32, #tpu.memory_space<vmem_shared>> -> memref<80x16xf32, #tpu.memory_space<vmem_shared>>
    %dma_wait3A_129 = arith.constant 0 : i32
    %dma_wait3A_130 = arith.constant 0 : i32
    %dma_wait3A_131 = tpu.memref_slice %arg14[%dma_wait3A_129, %dma_wait3A_130] : memref<10000x16xf32, #tpu.memory_space<vmem_shared>> -> memref<80x16xf32, #tpu.memory_space<vmem_shared>>
    tpu.wait_dma2 semaphore(%arg17 : memref<!tpu.dma_semaphore, #tpu.memory_space<semaphore_mem>>) src(%arg10 : memref<80x16xf32, #tpu.memory_space<vmem>>) dst(%dma_wait3A_131 : memref<80x16xf32, #tpu.memory_space<vmem_shared>>)
    %barrier3A_132 = arith.constant 0 : index
    tpu.barrier barrier_id(%barrier3A_132)
    %mul3A_133 = arith.constant 625 : i32
    %mul3A_134 = arith.muli %arg1, %mul3A_133 : i32
    "tpu.region"() ({
      %run_scoped3A = tpu.sem_alloc : memref<!tpu.dma_semaphore, #tpu.memory_space<semaphore_mem>>
      %dma_start3A_135 = arith.constant 0 : i32
      %dma_start3A_136 = tpu.memref_slice %arg5[%arg0, %mul3A_134, %dma_start3A_135] : memref<2x10000x64xf32, #tpu.memory_space<hbm>> -> memref<1x625x64xf32, #tpu.memory_space<hbm>>
      %dma_start3A_137 = tpu.memref_squeeze %dma_start3A_136 : memref<1x625x64xf32, #tpu.memory_space<hbm>> -> memref<625x64xf32, #tpu.memory_space<hbm>>
      %dma_start3A_138 = arith.constant 0 : i32
      %dma_start3A_139 = tpu.memref_slice %arg13[%mul3A_134, %dma_start3A_138] : memref<10000x64xf32, #tpu.memory_space<vmem_shared>> -> memref<625x64xf32, #tpu.memory_space<vmem_shared>>
      tpu.enqueue_dma source(%dma_start3A_139 : memref<625x64xf32, #tpu.memory_space<vmem_shared>>) target(%dma_start3A_137 : memref<625x64xf32, #tpu.memory_space<hbm>>) target_semaphore(%run_scoped3A : memref<!tpu.dma_semaphore, #tpu.memory_space<semaphore_mem>>)
      %dma_wait3A_140 = arith.constant 0 : i32
      %dma_wait3A_141 = tpu.memref_slice %arg5[%arg0, %mul3A_134, %dma_wait3A_140] : memref<2x10000x64xf32, #tpu.memory_space<hbm>> -> memref<1x625x64xf32, #tpu.memory_space<hbm>>
      %dma_wait3A_142 = tpu.memref_squeeze %dma_wait3A_141 : memref<1x625x64xf32, #tpu.memory_space<hbm>> -> memref<625x64xf32, #tpu.memory_space<hbm>>
      %dma_wait3A_143 = arith.constant 0 : i32
      %dma_wait3A_144 = tpu.memref_slice %arg13[%mul3A_134, %dma_wait3A_143] : memref<10000x64xf32, #tpu.memory_space<vmem_shared>> -> memref<625x64xf32, #tpu.memory_space<vmem_shared>>
      tpu.wait_dma2 semaphore(%run_scoped3A : memref<!tpu.dma_semaphore, #tpu.memory_space<semaphore_mem>>) src(%dma_wait3A_144 : memref<625x64xf32, #tpu.memory_space<vmem_shared>>) dst(%dma_wait3A_142 : memref<625x64xf32, #tpu.memory_space<hbm>>)
      tpu.yield
    }) : () -> ()
    "tpu.region"() ({
      %run_scoped3A = tpu.sem_alloc : memref<!tpu.dma_semaphore, #tpu.memory_space<semaphore_mem>>
      %dma_start3A_135 = arith.constant 0 : i32
      %dma_start3A_136 = tpu.memref_slice %arg6[%arg0, %mul3A_134, %dma_start3A_135] : memref<2x10000x16xf32, #tpu.memory_space<hbm>> -> memref<1x625x16xf32, #tpu.memory_space<hbm>>
      %dma_start3A_137 = tpu.memref_squeeze %dma_start3A_136 : memref<1x625x16xf32, #tpu.memory_space<hbm>> -> memref<625x16xf32, #tpu.memory_space<hbm>>
      %dma_start3A_138 = arith.constant 0 : i32
      %dma_start3A_139 = tpu.memref_slice %arg14[%mul3A_134, %dma_start3A_138] : memref<10000x16xf32, #tpu.memory_space<vmem_shared>> -> memref<625x16xf32, #tpu.memory_space<vmem_shared>>
      tpu.enqueue_dma source(%dma_start3A_139 : memref<625x16xf32, #tpu.memory_space<vmem_shared>>) target(%dma_start3A_137 : memref<625x16xf32, #tpu.memory_space<hbm>>) target_semaphore(%run_scoped3A : memref<!tpu.dma_semaphore, #tpu.memory_space<semaphore_mem>>)
      %dma_wait3A_140 = arith.constant 0 : i32
      %dma_wait3A_141 = tpu.memref_slice %arg6[%arg0, %mul3A_134, %dma_wait3A_140] : memref<2x10000x16xf32, #tpu.memory_space<hbm>> -> memref<1x625x16xf32, #tpu.memory_space<hbm>>
      %dma_wait3A_142 = tpu.memref_squeeze %dma_wait3A_141 : memref<1x625x16xf32, #tpu.memory_space<hbm>> -> memref<625x16xf32, #tpu.memory_space<hbm>>
      %dma_wait3A_143 = arith.constant 0 : i32
      %dma_wait3A_144 = tpu.memref_slice %arg14[%mul3A_134, %dma_wait3A_143] : memref<10000x16xf32, #tpu.memory_space<vmem_shared>> -> memref<625x16xf32, #tpu.memory_space<vmem_shared>>
      tpu.wait_dma2 semaphore(%run_scoped3A : memref<!tpu.dma_semaphore, #tpu.memory_space<semaphore_mem>>) src(%dma_wait3A_144 : memref<625x16xf32, #tpu.memory_space<vmem_shared>>) dst(%dma_wait3A_142 : memref<625x16xf32, #tpu.memory_space<hbm>>)
      tpu.yield
    }) : () -> ()
    return
  }
}

module attributes {stable_mosaic.version = 14 : i64} {
  func.func @tc_layer0(%arg0: memref<2x10000x64xf32, #tpu.memory_space<vmem>>, %arg1: memref<2x10000x16xf32, #tpu.memory_space<vmem>>, %arg2: memref<10000x128xf32, #tpu.memory_space<vmem>>, %arg3: memref<128x128xf32, #tpu.memory_space<vmem>>, %arg4: memref<1x128xf32, #tpu.memory_space<vmem>>, %arg5: memref<128x128xf32, #tpu.memory_space<vmem>>, %arg6: memref<1x128xf32, #tpu.memory_space<vmem>>, %arg7: memref<1x128xf32, #tpu.memory_space<vmem>>, %arg8: memref<2x10000x64xf32, #tpu.memory_space<vmem>>) attributes {dimension_semantics = [], scalar_prefetch = 0 : i64, scratch_operands = 0 : i64, tpu.core_type = #tpu.core_type<tc>} {
    %get3A = arith.constant 0 : index
    %get3A_0 = arith.constant 0 : index
    %get3A_1 = arith.constant 0 : index
    %get3A_2 = vector.load %arg0[%get3A, %get3A_0, %get3A_1] : memref<2x10000x64xf32, #tpu.memory_space<vmem>>, vector<1x10000x64xf32>
    %get3A_3 = vector.shape_cast %get3A_2 : vector<1x10000x64xf32> to vector<10000x64xf32>
    %get3A_4 = arith.constant 1 : index
    %get3A_5 = arith.constant 0 : index
    %get3A_6 = arith.constant 0 : index
    %get3A_7 = vector.load %arg0[%get3A_4, %get3A_5, %get3A_6] : memref<2x10000x64xf32, #tpu.memory_space<vmem>>, vector<1x10000x64xf32>
    %get3A_8 = vector.shape_cast %get3A_7 : vector<1x10000x64xf32> to vector<10000x64xf32>
    %concatenate3A = tpu.concatenate %get3A_3, %get3A_8 in 1 : vector<10000x64xf32>, vector<10000x64xf32> -> vector<10000x128xf32>
    %get3A_9 = arith.constant 0 : index
    %get3A_10 = arith.constant 0 : index
    %get3A_11 = arith.constant 0 : index
    %get3A_12 = vector.load %arg1[%get3A_9, %get3A_10, %get3A_11] : memref<2x10000x16xf32, #tpu.memory_space<vmem>>, vector<1x10000x16xf32>
    %get3A_13 = vector.shape_cast %get3A_12 : vector<1x10000x16xf32> to vector<10000x16xf32>
    %slice3A = vector.extract_strided_slice %get3A_13 {offsets = [0, 0], sizes = [10000, 1], strides = [1, 1]} : vector<10000x16xf32> to vector<10000x1xf32>
    %get3A_14 = arith.constant 1 : index
    %get3A_15 = arith.constant 0 : index
    %get3A_16 = arith.constant 0 : index
    %get3A_17 = vector.load %arg1[%get3A_14, %get3A_15, %get3A_16] : memref<2x10000x16xf32, #tpu.memory_space<vmem>>, vector<1x10000x16xf32>
    %get3A_18 = vector.shape_cast %get3A_17 : vector<1x10000x16xf32> to vector<10000x16xf32>
    %slice3A_19 = vector.extract_strided_slice %get3A_18 {offsets = [0, 0], sizes = [10000, 1], strides = [1, 1]} : vector<10000x16xf32> to vector<10000x1xf32>
    %add3A = arith.addf %slice3A, %slice3A_19 : vector<10000x1xf32>
    %max3A = arith.constant 1.000000e+00 : f32
    %max3A_20 = vector.broadcast %max3A : f32 to vector<10000x1xf32>
    %max3A_21 = arith.maximumf %add3A, %max3A_20 : vector<10000x1xf32>
    %div3A = vector.broadcast %max3A_21 : vector<10000x1xf32> to vector<10000x128xf32>
    %div3A_22 = arith.divf %concatenate3A, %div3A : vector<10000x128xf32>
    %get3A_23 = arith.constant 0 : index
    %get3A_24 = arith.constant 0 : index
    %get3A_25 = vector.load %arg3[%get3A_23, %get3A_24] : memref<128x128xf32, #tpu.memory_space<vmem>>, vector<128x128xf32>
    %dot_general3A = arith.constant dense<0.000000e+00> : vector<10000x128xf32>
    %dot_general3A_26 = tpu.matmul %div3A_22, %get3A_25, %dot_general3A {dimension_numbers = #tpu.dot_dimension_numbers<[1], [0], [0], [1], [0, 0, 1, 1], [], []>, transpose_lhs_hint = false} : vector<10000x128xf32>, vector<128x128xf32>, vector<10000x128xf32> -> vector<10000x128xf32>
    %get3A_27 = arith.constant 0 : index
    %get3A_28 = arith.constant 0 : index
    %get3A_29 = vector.load %arg4[%get3A_27, %get3A_28] : memref<1x128xf32, #tpu.memory_space<vmem>>, vector<1x128xf32>
    %add3A_30 = vector.broadcast %get3A_29 : vector<1x128xf32> to vector<10000x128xf32>
    %add3A_31 = arith.addf %dot_general3A_26, %add3A_30 : vector<10000x128xf32>
    %get3A_32 = arith.constant 0 : index
    %get3A_33 = arith.constant 0 : index
    %get3A_34 = vector.load %arg2[%get3A_32, %get3A_33] : memref<10000x128xf32, #tpu.memory_space<vmem>>, vector<10000x128xf32>
    %get3A_35 = arith.constant 0 : index
    %get3A_36 = arith.constant 0 : index
    %get3A_37 = vector.load %arg5[%get3A_35, %get3A_36] : memref<128x128xf32, #tpu.memory_space<vmem>>, vector<128x128xf32>
    %dot_general3A_38 = arith.constant dense<0.000000e+00> : vector<10000x128xf32>
    %dot_general3A_39 = tpu.matmul %get3A_34, %get3A_37, %dot_general3A_38 {dimension_numbers = #tpu.dot_dimension_numbers<[1], [0], [0], [1], [0, 0, 1, 1], [], []>, transpose_lhs_hint = false} : vector<10000x128xf32>, vector<128x128xf32>, vector<10000x128xf32> -> vector<10000x128xf32>
    %add3A_40 = arith.addf %add3A_31, %dot_general3A_39 : vector<10000x128xf32>
    %reduce_sum3A = arith.constant dense<0.000000e+00> : vector<128xf32>
    %reduce_sum3A_41 = vector.multi_reduction <add>, %add3A_40, %reduce_sum3A [0] : vector<10000x128xf32> to vector<128xf32>
    %broadcast_in_dim3A = vector.shape_cast %reduce_sum3A_41 : vector<128xf32> to vector<1x128xf32>
    %div3A_42 = arith.constant 1.000000e+04 : f32
    %div3A_43 = vector.broadcast %div3A_42 : f32 to vector<1x128xf32>
    %div3A_44 = arith.divf %broadcast_in_dim3A, %div3A_43 : vector<1x128xf32>
    %sub3A = vector.broadcast %div3A_44 : vector<1x128xf32> to vector<10000x128xf32>
    %sub3A_45 = arith.subf %add3A_40, %sub3A : vector<10000x128xf32>
    %integer_pow3A = arith.mulf %sub3A_45, %sub3A_45 : vector<10000x128xf32>
    %reduce_sum3A_46 = arith.constant dense<0.000000e+00> : vector<128xf32>
    %reduce_sum3A_47 = vector.multi_reduction <add>, %integer_pow3A, %reduce_sum3A_46 [0] : vector<10000x128xf32> to vector<128xf32>
    %broadcast_in_dim3A_48 = vector.shape_cast %reduce_sum3A_47 : vector<128xf32> to vector<1x128xf32>
    %div3A_49 = arith.constant 1.000000e+04 : f32
    %div3A_50 = vector.broadcast %div3A_49 : f32 to vector<1x128xf32>
    %div3A_51 = arith.divf %broadcast_in_dim3A_48, %div3A_50 : vector<1x128xf32>
    %sub3A_52 = vector.broadcast %div3A_44 : vector<1x128xf32> to vector<10000x128xf32>
    %sub3A_53 = arith.subf %add3A_40, %sub3A_52 : vector<10000x128xf32>
    %add3A_54 = arith.constant 9.99999974E-6 : f32
    %add3A_55 = vector.broadcast %add3A_54 : f32 to vector<1x128xf32>
    %add3A_56 = arith.addf %div3A_51, %add3A_55 : vector<1x128xf32>
    %sqrt3A = math.sqrt %add3A_56 : vector<1x128xf32>
    %div3A_57 = vector.broadcast %sqrt3A : vector<1x128xf32> to vector<10000x128xf32>
    %div3A_58 = arith.divf %sub3A_53, %div3A_57 : vector<10000x128xf32>
    %get3A_59 = arith.constant 0 : index
    %get3A_60 = arith.constant 0 : index
    %get3A_61 = vector.load %arg6[%get3A_59, %get3A_60] : memref<1x128xf32, #tpu.memory_space<vmem>>, vector<1x128xf32>
    %mul3A = vector.broadcast %get3A_61 : vector<1x128xf32> to vector<10000x128xf32>
    %mul3A_62 = arith.mulf %div3A_58, %mul3A : vector<10000x128xf32>
    %get3A_63 = arith.constant 0 : index
    %get3A_64 = arith.constant 0 : index
    %get3A_65 = vector.load %arg7[%get3A_63, %get3A_64] : memref<1x128xf32, #tpu.memory_space<vmem>>, vector<1x128xf32>
    %add3A_66 = vector.broadcast %get3A_65 : vector<1x128xf32> to vector<10000x128xf32>
    %add3A_67 = arith.addf %mul3A_62, %add3A_66 : vector<10000x128xf32>
    %max3A_68 = arith.constant 0.000000e+00 : f32
    %max3A_69 = vector.broadcast %max3A_68 : f32 to vector<10000x128xf32>
    %max3A_70 = arith.maximumf %add3A_67, %max3A_69 : vector<10000x128xf32>
    %slice3A_71 = vector.extract_strided_slice %max3A_70 {offsets = [0, 0], sizes = [10000, 64], strides = [1, 1]} : vector<10000x128xf32> to vector<10000x64xf32>
    %swap3A = arith.constant 0 : index
    %swap3A_72 = arith.constant 0 : index
    %swap3A_73 = arith.constant 0 : index
    %swap3A_74 = vector.load %arg8[%swap3A, %swap3A_72, %swap3A_73] : memref<2x10000x64xf32, #tpu.memory_space<vmem>>, vector<1x10000x64xf32>
    %swap3A_75 = vector.shape_cast %swap3A_74 : vector<1x10000x64xf32> to vector<10000x64xf32>
    %swap3A_76 = vector.shape_cast %slice3A_71 : vector<10000x64xf32> to vector<1x10000x64xf32>
    tpu.vector_store %arg8[%swap3A, %swap3A_72, %swap3A_73], %swap3A_76 {strides = array<i32>} : memref<2x10000x64xf32, #tpu.memory_space<vmem>>, vector<1x10000x64xf32>,
    %slice3A_77 = vector.extract_strided_slice %max3A_70 {offsets = [0, 64], sizes = [10000, 64], strides = [1, 1]} : vector<10000x128xf32> to vector<10000x64xf32>
    %swap3A_78 = arith.constant 1 : index
    %swap3A_79 = arith.constant 0 : index
    %swap3A_80 = arith.constant 0 : index
    %swap3A_81 = vector.load %arg8[%swap3A_78, %swap3A_79, %swap3A_80] : memref<2x10000x64xf32, #tpu.memory_space<vmem>>, vector<1x10000x64xf32>
    %swap3A_82 = vector.shape_cast %swap3A_81 : vector<1x10000x64xf32> to vector<10000x64xf32>
    %swap3A_83 = vector.shape_cast %slice3A_77 : vector<10000x64xf32> to vector<1x10000x64xf32>
    tpu.vector_store %arg8[%swap3A_78, %swap3A_79, %swap3A_80], %swap3A_83 {strides = array<i32>} : memref<2x10000x64xf32, #tpu.memory_space<vmem>>, vector<1x10000x64xf32>,
    return
  }
}

module attributes {stable_mosaic.version = 14 : i64} {
  func.func @tc_layer1(%arg0: memref<2x10000x64xf32, #tpu.memory_space<vmem>>, %arg1: memref<2x10000x16xf32, #tpu.memory_space<vmem>>, %arg2: memref<2x10000x64xf32, #tpu.memory_space<vmem>>, %arg3: memref<128x128xf32, #tpu.memory_space<vmem>>, %arg4: memref<1x128xf32, #tpu.memory_space<vmem>>, %arg5: memref<128x128xf32, #tpu.memory_space<vmem>>, %arg6: memref<1x128xf32, #tpu.memory_space<vmem>>, %arg7: memref<1x128xf32, #tpu.memory_space<vmem>>, %arg8: memref<1x10000xi32, #tpu.memory_space<vmem>>, %arg9: memref<64x128xf32, #tpu.memory_space<vmem>>) attributes {dimension_semantics = [], scalar_prefetch = 0 : i64, scratch_operands = 0 : i64, tpu.core_type = #tpu.core_type<tc>} {
    %get3A = arith.constant 0 : index
    %get3A_0 = arith.constant 0 : index
    %get3A_1 = arith.constant 0 : index
    %get3A_2 = vector.load %arg0[%get3A, %get3A_0, %get3A_1] : memref<2x10000x64xf32, #tpu.memory_space<vmem>>, vector<1x10000x64xf32>
    %get3A_3 = vector.shape_cast %get3A_2 : vector<1x10000x64xf32> to vector<10000x64xf32>
    %get3A_4 = arith.constant 1 : index
    %get3A_5 = arith.constant 0 : index
    %get3A_6 = arith.constant 0 : index
    %get3A_7 = vector.load %arg0[%get3A_4, %get3A_5, %get3A_6] : memref<2x10000x64xf32, #tpu.memory_space<vmem>>, vector<1x10000x64xf32>
    %get3A_8 = vector.shape_cast %get3A_7 : vector<1x10000x64xf32> to vector<10000x64xf32>
    %concatenate3A = tpu.concatenate %get3A_3, %get3A_8 in 1 : vector<10000x64xf32>, vector<10000x64xf32> -> vector<10000x128xf32>
    %get3A_9 = arith.constant 0 : index
    %get3A_10 = arith.constant 0 : index
    %get3A_11 = arith.constant 0 : index
    %get3A_12 = vector.load %arg1[%get3A_9, %get3A_10, %get3A_11] : memref<2x10000x16xf32, #tpu.memory_space<vmem>>, vector<1x10000x16xf32>
    %get3A_13 = vector.shape_cast %get3A_12 : vector<1x10000x16xf32> to vector<10000x16xf32>
    %slice3A = vector.extract_strided_slice %get3A_13 {offsets = [0, 0], sizes = [10000, 1], strides = [1, 1]} : vector<10000x16xf32> to vector<10000x1xf32>
    %get3A_14 = arith.constant 1 : index
    %get3A_15 = arith.constant 0 : index
    %get3A_16 = arith.constant 0 : index
    %get3A_17 = vector.load %arg1[%get3A_14, %get3A_15, %get3A_16] : memref<2x10000x16xf32, #tpu.memory_space<vmem>>, vector<1x10000x16xf32>
    %get3A_18 = vector.shape_cast %get3A_17 : vector<1x10000x16xf32> to vector<10000x16xf32>
    %slice3A_19 = vector.extract_strided_slice %get3A_18 {offsets = [0, 0], sizes = [10000, 1], strides = [1, 1]} : vector<10000x16xf32> to vector<10000x1xf32>
    %add3A = arith.addf %slice3A, %slice3A_19 : vector<10000x1xf32>
    %max3A = arith.constant 1.000000e+00 : f32
    %max3A_20 = vector.broadcast %max3A : f32 to vector<10000x1xf32>
    %max3A_21 = arith.maximumf %add3A, %max3A_20 : vector<10000x1xf32>
    %div3A = vector.broadcast %max3A_21 : vector<10000x1xf32> to vector<10000x128xf32>
    %div3A_22 = arith.divf %concatenate3A, %div3A : vector<10000x128xf32>
    %get3A_23 = arith.constant 0 : index
    %get3A_24 = arith.constant 0 : index
    %get3A_25 = arith.constant 0 : index
    %get3A_26 = vector.load %arg2[%get3A_23, %get3A_24, %get3A_25] : memref<2x10000x64xf32, #tpu.memory_space<vmem>>, vector<1x10000x64xf32>
    %get3A_27 = vector.shape_cast %get3A_26 : vector<1x10000x64xf32> to vector<10000x64xf32>
    %get3A_28 = arith.constant 1 : index
    %get3A_29 = arith.constant 0 : index
    %get3A_30 = arith.constant 0 : index
    %get3A_31 = vector.load %arg2[%get3A_28, %get3A_29, %get3A_30] : memref<2x10000x64xf32, #tpu.memory_space<vmem>>, vector<1x10000x64xf32>
    %get3A_32 = vector.shape_cast %get3A_31 : vector<1x10000x64xf32> to vector<10000x64xf32>
    %concatenate3A_33 = tpu.concatenate %get3A_27, %get3A_32 in 1 : vector<10000x64xf32>, vector<10000x64xf32> -> vector<10000x128xf32>
    %get3A_34 = arith.constant 0 : index
    %get3A_35 = arith.constant 0 : index
    %get3A_36 = vector.load %arg3[%get3A_34, %get3A_35] : memref<128x128xf32, #tpu.memory_space<vmem>>, vector<128x128xf32>
    %dot_general3A = arith.constant dense<0.000000e+00> : vector<10000x128xf32>
    %dot_general3A_37 = tpu.matmul %div3A_22, %get3A_36, %dot_general3A {dimension_numbers = #tpu.dot_dimension_numbers<[1], [0], [0], [1], [0, 0, 1, 1], [], []>, transpose_lhs_hint = false} : vector<10000x128xf32>, vector<128x128xf32>, vector<10000x128xf32> -> vector<10000x128xf32>
    %get3A_38 = arith.constant 0 : index
    %get3A_39 = arith.constant 0 : index
    %get3A_40 = vector.load %arg4[%get3A_38, %get3A_39] : memref<1x128xf32, #tpu.memory_space<vmem>>, vector<1x128xf32>
    %add3A_41 = vector.broadcast %get3A_40 : vector<1x128xf32> to vector<10000x128xf32>
    %add3A_42 = arith.addf %dot_general3A_37, %add3A_41 : vector<10000x128xf32>
    %get3A_43 = arith.constant 0 : index
    %get3A_44 = arith.constant 0 : index
    %get3A_45 = vector.load %arg5[%get3A_43, %get3A_44] : memref<128x128xf32, #tpu.memory_space<vmem>>, vector<128x128xf32>
    %dot_general3A_46 = arith.constant dense<0.000000e+00> : vector<10000x128xf32>
    %dot_general3A_47 = tpu.matmul %concatenate3A_33, %get3A_45, %dot_general3A_46 {dimension_numbers = #tpu.dot_dimension_numbers<[1], [0], [0], [1], [0, 0, 1, 1], [], []>, transpose_lhs_hint = false} : vector<10000x128xf32>, vector<128x128xf32>, vector<10000x128xf32> -> vector<10000x128xf32>
    %add3A_48 = arith.addf %add3A_42, %dot_general3A_47 : vector<10000x128xf32>
    %reduce_sum3A = arith.constant dense<0.000000e+00> : vector<128xf32>
    %reduce_sum3A_49 = vector.multi_reduction <add>, %add3A_48, %reduce_sum3A [0] : vector<10000x128xf32> to vector<128xf32>
    %broadcast_in_dim3A = vector.shape_cast %reduce_sum3A_49 : vector<128xf32> to vector<1x128xf32>
    %div3A_50 = arith.constant 1.000000e+04 : f32
    %div3A_51 = vector.broadcast %div3A_50 : f32 to vector<1x128xf32>
    %div3A_52 = arith.divf %broadcast_in_dim3A, %div3A_51 : vector<1x128xf32>
    %sub3A = vector.broadcast %div3A_52 : vector<1x128xf32> to vector<10000x128xf32>
    %sub3A_53 = arith.subf %add3A_48, %sub3A : vector<10000x128xf32>
    %integer_pow3A = arith.mulf %sub3A_53, %sub3A_53 : vector<10000x128xf32>
    %reduce_sum3A_54 = arith.constant dense<0.000000e+00> : vector<128xf32>
    %reduce_sum3A_55 = vector.multi_reduction <add>, %integer_pow3A, %reduce_sum3A_54 [0] : vector<10000x128xf32> to vector<128xf32>
    %broadcast_in_dim3A_56 = vector.shape_cast %reduce_sum3A_55 : vector<128xf32> to vector<1x128xf32>
    %div3A_57 = arith.constant 1.000000e+04 : f32
    %div3A_58 = vector.broadcast %div3A_57 : f32 to vector<1x128xf32>
    %div3A_59 = arith.divf %broadcast_in_dim3A_56, %div3A_58 : vector<1x128xf32>
    %sub3A_60 = vector.broadcast %div3A_52 : vector<1x128xf32> to vector<10000x128xf32>
    %sub3A_61 = arith.subf %add3A_48, %sub3A_60 : vector<10000x128xf32>
    %add3A_62 = arith.constant 9.99999974E-6 : f32
    %add3A_63 = vector.broadcast %add3A_62 : f32 to vector<1x128xf32>
    %add3A_64 = arith.addf %div3A_59, %add3A_63 : vector<1x128xf32>
    %sqrt3A = math.sqrt %add3A_64 : vector<1x128xf32>
    %div3A_65 = vector.broadcast %sqrt3A : vector<1x128xf32> to vector<10000x128xf32>
    %div3A_66 = arith.divf %sub3A_61, %div3A_65 : vector<10000x128xf32>
    %get3A_67 = arith.constant 0 : index
    %get3A_68 = arith.constant 0 : index
    %get3A_69 = vector.load %arg6[%get3A_67, %get3A_68] : memref<1x128xf32, #tpu.memory_space<vmem>>, vector<1x128xf32>
    %mul3A = vector.broadcast %get3A_69 : vector<1x128xf32> to vector<10000x128xf32>
    %mul3A_70 = arith.mulf %div3A_66, %mul3A : vector<10000x128xf32>
    %get3A_71 = arith.constant 0 : index
    %get3A_72 = arith.constant 0 : index
    %get3A_73 = vector.load %arg7[%get3A_71, %get3A_72] : memref<1x128xf32, #tpu.memory_space<vmem>>, vector<1x128xf32>
    %add3A_74 = vector.broadcast %get3A_73 : vector<1x128xf32> to vector<10000x128xf32>
    %add3A_75 = arith.addf %mul3A_70, %add3A_74 : vector<10000x128xf32>
    %max3A_76 = arith.constant 0.000000e+00 : f32
    %max3A_77 = vector.broadcast %max3A_76 : f32 to vector<10000x128xf32>
    %max3A_78 = arith.maximumf %add3A_75, %max3A_77 : vector<10000x128xf32>
    %iota3A = tpu.iota {dimensions = array<i32: 0>} : vector<64x10000xi32>
    %get3A_79 = arith.constant 0 : index
    %get3A_80 = arith.constant 0 : index
    %get3A_81 = vector.load %arg8[%get3A_79, %get3A_80] : memref<1x10000xi32, #tpu.memory_space<vmem>>, vector<1x10000xi32>
    %eq3A = vector.broadcast %get3A_81 : vector<1x10000xi32> to vector<64x10000xi32>
    %eq3A_82 = arith.cmpi eq, %eq3A, %iota3A : vector<64x10000xi32>
    %convert_element_type3A = arith.extui %eq3A_82 : vector<64x10000xi1> to vector<64x10000xi32>
    %convert_element_type3A_83 = arith.sitofp %convert_element_type3A : vector<64x10000xi32> to vector<64x10000xf32>
    %dot_general3A_84 = arith.constant dense<0.000000e+00> : vector<64x128xf32>
    %dot_general3A_85 = tpu.matmul %convert_element_type3A_83, %max3A_78, %dot_general3A_84 {dimension_numbers = #tpu.dot_dimension_numbers<[1], [0], [0], [1], [0, 0, 1, 1], [], []>, transpose_lhs_hint = false} : vector<64x10000xf32>, vector<10000x128xf32>, vector<64x128xf32> -> vector<64x128xf32>
    %reduce_sum3A_86 = arith.constant dense<0.000000e+00> : vector<64xf32>
    %reduce_sum3A_87 = vector.multi_reduction <add>, %convert_element_type3A_83, %reduce_sum3A_86 [1] : vector<64x10000xf32> to vector<64xf32>
    %broadcast_in_dim3A_88 = vector.shape_cast %reduce_sum3A_87 : vector<64xf32> to vector<64x1xf32>
    %max3A_89 = arith.constant 1.000000e+00 : f32
    %max3A_90 = vector.broadcast %max3A_89 : f32 to vector<64x1xf32>
    %max3A_91 = arith.maximumf %broadcast_in_dim3A_88, %max3A_90 : vector<64x1xf32>
    %div3A_92 = vector.broadcast %max3A_91 : vector<64x1xf32> to vector<64x128xf32>
    %div3A_93 = arith.divf %dot_general3A_85, %div3A_92 : vector<64x128xf32>
    %swap3A = arith.constant 0 : index
    %swap3A_94 = arith.constant 0 : index
    %swap3A_95 = vector.load %arg9[%swap3A, %swap3A_94] : memref<64x128xf32, #tpu.memory_space<vmem>>, vector<64x128xf32>
    tpu.vector_store %arg9[%swap3A, %swap3A_94], %div3A_93 {strides = array<i32>} : memref<64x128xf32, #tpu.memory_space<vmem>>, vector<64x128xf32>,
    return
  }
}

</mosaic_0001>

<sc_bundles>
// kernel: sc_agg.3.cloned.1.call-start
scs
__scs_entry_jumppad:
0x0: {  	(pc) =	sbr.rel $0x88, $3  }
0x1: {  	(tag) =	ssettag $0x0;
	lr =	simm.s32 $0x1  }
0x2: {  	[smem:$0x3F94] =	sst lr;
	_ =	strace $0xD0000000  }
0x3: {  	_ = 	snop  }
0x4: {  	_ = 	snop  }
0x5: {  	_ = 	snop  }
0x6: {  	_ = 	snop  }
0x7: {  	_ = 	snop  }
__scs_overlays_trampoline_lowered:
0x8: {  	[smem:$0x3FA3] =	sst s0  }
0x9: {  	[smem:$0x3FA4] =	sst s1  }
0xa: {  	[smem:$0x3FA5] =	sst s2  }
0xb: {  	[smem:$0x3FA6] =	sst s3  }
0xc: {  	[smem:$0x3FA7] =	sst s4  }
0xd: {  	[smem:$0x3FA8] =	sst s5  }
0xe: {  	[smem:$0x3FA9] =	sst s6  }
0xf: {  	[smem:$0x3FAA] =	sst s7  }
0x10: {  	[smem:$0x3FAB] =	sst s8  }
0x11: {  	[smem:$0x3FAC] =	sst s9;
	s0 =	simm.s32 @!p0 $0x0  }
0x12: {  	s1 =	sld [smem:$0x3F92];
	s0 =	simm.s32 @p0 $0x1  }
0x13: {  	[smem:$0x3FAD] =	sst s0;
	s0 =	simm.s32 @!p1 $0x0  }
0x14: {  	s2 =	sld [smem:$0x3F91];
	s0 =	simm.s32 @p1 $0x1  }
0x15: {  	[smem:$0x3FAE] =	sst s0;
	s0 =	simm.s32 @!p2 $0x0  }
0x16: {  	s3 =	sld [smem:$0x3FDB];
	s0 =	simm.s32 @p2 $0x1  }
0x17: {  	s4 =	simm.s32 $0x1BF5;
	[smem:$0x3FB0] =	sst s0  }
0x18: {  	s0 =	sld [smem:$0x3F93];
	_ =	swait.ge [sflag:s4], $0x0  }
0x19: {  	s7 =	sld [smem:$0x3F94]  }
0x1a: {  	s8 =	sadd.s32 $0xFFFFE003, lr  }
0x1b: {  	s9 =	sadd.s32 $0xFFFFFEF7, lr;
	s5 =	simm.s32 $0xFFFFFFFF;
	p2 =	slt.u32 s8, $0xFFFFF086  }
0x1c: {  	p1 =	slt.u32 s9, $0xF7A;
	s5 =	simm.s32 @!p2 $0x0  }
0x1d: {  	s5 =	simm.s32 @p1 $0x1;
	p0 =	seq.s32 s7, s2  }
0x1e: {  	s7 =	smul.u32 @!p0 $0xF7A, s2;
	p2 =	seq.s32 @!p0 s5, $0x0  }
0x1f: {  	s9 =	smul.u32 $0xF7A, s1;
	s8 =	simm.s32 @!p0 $0x1BF5;
	p2 =	por !p2, p0  }
0x20: {  	[sflag:s8] =	ssyncset.s32 @!p0 $0xFFFFF086;
	s6 =	sadd.s32 @!p0 s3, s7;
	s7 =	simm.s32 @!p0 $0x108  }
0x21: {  	s3 =	sadd.s32 s3, s9;
	s6 =	sadd.s32 @!p0 $0x88, s6;
	s7 =	simm.s32 @p2 $0x1082  }
0x22: {  	[simem:s7], [sflag:s8] =	dma.local @!p0 [hbm:s6], $0xF7A  }
0x23: {  	s9 =	sor.u32 $0xD0000000, s2;
	s6 =	simm.s32 $0x108;
	_ =	swait.ge @!p0 [sflag:s8], $0x0  }
0x24: {  	s3 =	sadd.s32 $0x88, s3;
	s6 =	simm.s32 @!p1 $0x1082;
	[sflag:s4] =	ssyncset.s32 $0xFFFFF086  }
0x25: {  	[simem:s6], [sflag:s4] =	dma.local [hbm:s3], $0xF7A  }
0x26: {  	[smem:$0x3F94] =	sst s1;
	(tag) =	ssettag s2;
	_ =	strace s9  }
0x27: {  	s1 =	sld [smem:$0x3FA4]  }
0x28: {  	s2 =	sld [smem:$0x3FA5]  }
0x29: {  	s4 =	sld [smem:$0x3FA7]  }
0x2a: {  	p0 =	seq.s32 s5, $0x0;
	s5 =	sld [smem:$0x3FA8]  }
0x2b: {  	s6 =	sld [smem:$0x3FA9]  }
0x2c: {  	s7 =	sld [smem:$0x3FAA]  }
0x2d: {  	s3 =	simm.s32 $0x108;
	s8 =	sld [smem:$0x3FAB]  }
0x2e: {  	s3 =	simm.s32 @!p0 $0x1082;
	s9 =	sld [smem:$0x3FAC]  }
0x2f: {  	lr =	sadd.s32 s0, s3;
	s0 =	sld [smem:$0x3FA3]  }
0x30: {  	s3 =	sld [smem:$0x3FA6]  }
0x31: {  	[smem:$0x3FAF] =	sst s10  }
0x32: {  	s10 =	sld [smem:$0x3FAD];
	_ =	sdelay $0x3  }
0x33: {  	p0 =	seq.s32 s10, $0x1;
	s10 =	sld [smem:$0x3FAF];
	_ =	sdelay $0x3  }
0x34: {  	[smem:$0x3FAF] =	sst s10  }
0x35: {  	s10 =	sld [smem:$0x3FAE];
	_ =	sdelay $0x3  }
0x36: {  	p1 =	seq.s32 s10, $0x1;
	s10 =	sld [smem:$0x3FAF];
	_ =	sdelay $0x3  }
0x37: {  	[smem:$0x3FAF] =	sst s10  }
0x38: {  	s10 =	sld [smem:$0x3FB0]  }
0x39: {  	_ = 	snop;
	(pc) =	sbr.ind lr, $3  }
0x3a: {  	_ = 	snop  }
0x3b: {  	_ = 	snop  }
0x3c: {  	p2 =	seq.s32 s10, $0x1;
	s10 =	sld [smem:$0x3FAF]  }
0x3d: {  	_ =	shalt  }
0x3e: {  	_ =	shalt  }
0x3f: {  	_ =	shalt  }
0x40: {  	_ =	shalt  }
0x41: {  	_ =	shalt  }
0x42: {  	_ =	shalt  }
0x43: {  	_ =	shalt  }
0x44: {  	_ =	shalt  }
0x45: {  	_ =	shalt  }
0x46: {  	_ =	shalt  }
0x47: {  	_ =	shalt  }
0x48: {  	_ =	shalt  }
0x49: {  	_ =	shalt  }
0x4a: {  	_ =	shalt  }
0x4b: {  	_ =	shalt  }
0x4c: {  	_ =	shalt  }
0x4d: {  	_ =	shalt  }
0x4e: {  	_ =	shalt  }
0x4f: {  	_ =	shalt  }
0x50: {  	_ =	shalt  }
0x51: {  	_ =	shalt  }
0x52: {  	_ =	shalt  }
0x53: {  	_ =	shalt  }
0x54: {  	_ =	shalt  }
0x55: {  	_ =	shalt  }
0x56: {  	_ =	shalt  }
0x57: {  	_ =	shalt  }
0x58: {  	_ =	shalt  }
0x59: {  	_ =	shalt  }
0x5a: {  	_ =	shalt  }
0x5b: {  	_ =	shalt  }
0x5c: {  	_ =	shalt  }
0x5d: {  	_ =	shalt  }
0x5e: {  	_ =	shalt  }
0x5f: {  	_ =	shalt  }
0x60: {  	_ =	shalt  }
0x61: {  	_ =	shalt  }
0x62: {  	_ =	shalt  }
0x63: {  	_ =	shalt  }
0x64: {  	_ =	shalt  }
0x65: {  	_ =	shalt  }
0x66: {  	_ =	shalt  }
0x67: {  	_ =	shalt  }
0x68: {  	_ =	shalt  }
0x69: {  	_ =	shalt  }
0x6a: {  	_ =	shalt  }
0x6b: {  	_ =	shalt  }
0x6c: {  	_ =	shalt  }
0x6d: {  	_ =	shalt  }
0x6e: {  	_ =	shalt  }
0x6f: {  	_ =	shalt  }
0x70: {  	_ =	shalt  }
0x71: {  	_ =	shalt  }
0x72: {  	_ =	shalt  }
0x73: {  	_ =	shalt  }
0x74: {  	_ =	shalt  }
0x75: {  	_ =	shalt  }
0x76: {  	_ =	shalt  }
0x77: {  	_ =	shalt  }
0x78: {  	_ =	shalt  }
0x79: {  	_ =	shalt  }
0x7a: {  	_ =	shalt  }
0x7b: {  	_ =	shalt  }
0x7c: {  	_ =	shalt  }
0x7d: {  	_ =	shalt  }
0x7e: {  	_ =	shalt  }
0x7f: {  	_ =	shalt  }
0x80: {  	_ =	shalt  }
0x81: {  	_ =	shalt  }
0x82: {  	_ =	shalt  }
0x83: {  	_ =	shalt  }
0x84: {  	_ =	shalt  }
0x85: {  	_ =	shalt  }
0x86: {  	_ =	shalt  }
0x87: {  	_ =	shalt  }
.Lfunc_end0:
.L_simem_size_0:
called_computation.1_lowered:
.L_overlay_start_0:
0x88: {  	s2 =	sld [smem:$0x3FD9]  }
0x89: {  	s3 =	sld [smem:$0x3FFE];
	_ =	sdelay $0x1  }
0x8a: {  	s1 =	srdreg.scid  }
0x8b: {  	s0 =	sand.u32 $0x1, s1  }
0x8c: {  	s16 =	sshll.u32 s0, $0xA;
	s2 =	sadd.s32 s3, s2  }
0x8d: {  	s2 =	sadd.s32 s2, s16  }
0x8e: {  	[smem:$0x3FBB] =	sst s2  }
0x8f: {  	_ = 	snop  }
0x90: {  	(tm) =	ssettm $0x1  }
0x91: {  	s17 =	sld [smem:$0x3FFB];
	_ =	sdelay $0x3  }
0x92: {  	_ =	strace s17  }
0x93: {  	s2 =	sld [smem:$0x3FFC];
	_ =	sdelay $0x3  }
0x94: {  	_ =	strace s2  }
0x95: {  	s2 =	sld [smem:$0x3FFD];
	_ =	sdelay $0x3  }
0x96: {  	_ =	strace s2  }
0x97: {  	_ =	strace $0x8FFFFFFF  }
0x98: {  	s18 =	sld [smem:$0x3FDB];
	_ =	sdelay $0x1  }
0x99: {  	s19 =	simm.s32 $_scs_section_size  }
0x9a: {  	s4 =	simm.s32 $_size__tile_overlayer_lowered;
	s5 =	simm.s32 $_tile_overlayer_lowered  }
0x9b: {  	s22 =	simm.s32 $0x1BFF;
	s21 =	sshll.u32 s5, $0x1;
	s2 =	sadd.s32 s19, s18  }
0x9c: {  	s6 =	simm.s32 $0x0;
	s20 =	sshll.u32 s4, $0x1;
	s4 =	sadd.s32 s21, s2  }
0x9d: {  	[timem:s6], [sflag:s22] =	dma.local [hbm:s4], s20  }
0x9e: {  	_ =	swait.ge [sflag:s22], s20  }
0x9f: {  	s3 =	ssub.s32 $0x0, s20;
	[sflag:s22] =	ssyncset.done $0x0  }
0xa0: {  	[sflag:s22] =	ssyncadd.s32 s3;
	_ =	sdelay $0x1  }
0xa1: {  	s23 =	simm.s32 $0x1B8B  }
0xa2: {  	_ =	swait.ge [sflag:s23], $0x1  }
0xa3: {  	[sflag:s23] =	ssyncset.done $0x0  }
0xa4: {  	s25 =	simm.s32 $0x1B8E;
	s24 =	sld [smem:$0x3FFE];
	[sflag:s23] =	ssyncadd.s32 $0xFFFFFFFF  }
0xa5: {  	s26 =	simm.s32 $execute0_lowered;
	[smem:$0x3FD2] =	sst s25  }
0xa6: {  	s4 =	sshll.u32 s26, $0x1;
	_ =	strace $0x80000049;
	[dreg:$0x1] =	wrdreg $0xFFFFFFFF  }
0xa7: {  	s28 =	simm.s32 $_size_execute0_lowered;
	s2 =	sadd.s32 s2, s4;
	[dreg:$0x0] =	wrdreg $0x0  }
0xa8: {  	s4 =	sshll.u32 s28, $0x1;
	[dreg:$0x2] =	wrdreg s2  }
0xa9: {  	[dreg:$0x3] =	wrdreg s4  }
0xaa: {  	[dreg:$0x4] =	wrdreg $0xC0  }
0xab: {  	_ =	task [dreg:s6], $0x5FFFF  }
0xac: {  	[dreg:$0x1] =	wrdreg $0xFFFFFFFF  }
0xad: {  	[dreg:$0x0] =	wrdreg $0x60  }
0xae: {  	[dreg:$0x2] =	wrdreg s24  }
0xaf: {  	[dreg:$0x3] =	wrdreg $0x133800  }
0xb0: {  	[dreg:$0x4] =	wrdreg $0x9  }
0xb1: {  	_ =	task.clear_ibuf [dreg:s6], $0x5FFFF;
	_ =	strace $0x90000049  }
0xb2: {  	s29 =	simm.s32 $0x9;
	_ =	strace $0x8000004B  }
0xb3: {  	_ =	swait.ge [sflag:s29], $0x1  }
0xb4: {  	[sflag:s29] =	ssyncadd.s32 $0xFFFFFFFF  }
0xb5: {  	_ =	strace $0x9000004B  }
0xb6: {  	_ =	sfence  }
0xb7: {  	s30 =	sld [smem:$0x0];
	_ =	sdelay $0x2  }
0xb8: {  	s31 =	sshll.u32 s1, $0xD;
	s1 =	sshrl.u32 s1, $0x2  }
0xb9: {  	s3 =	sand.u32 $0x4000, s31;
	s1 =	sadd.s32 s1, s30  }
0xba: {  	s0 =	sor.u32 s3, s0;
	s1 =	sshll.u32 s1, $0x11  }
0xbb: {  	s0 =	sor.u32 s1, s0  }
0xbc: {  	s0 =	sadd.s32 $0x8F2B, s0  }
0xbd: {  	[sflag:s0] =	ssyncadd.remote.s32 $0x1  }
0xbe: {  	_ =	sfence.sel $0xFFFF  }
0xbf: {  	[dreg:$0x0] =	wrdreg $0xFFFFFFFF;
	(pc) =	sbr.abs _section_cstart, $3  }
0xc0: {  	[dreg:$0x1] =	wrdreg $0xFFFFFFFF  }
0xc1: {  	_ =	task.clear_ibuf [dreg:s6], $0x2FFFF;
	_ =	strace $0x9FFFFFFF  }
0xc2: {  	(tm) =	ssettm $0x7FFFFFFF  }
0xc3: {  	_ =	shalt  }
tec
execute0_lowered:
.L_overlay_start_1:
0x0: {  	(tag) =	ssettag $0x1  }
0x1: {  	s0 =	rddreg [dreg:$0x0]  }
0x2: {  	s1 =	srdreg.scid;
	s2 =	rddreg [dreg:$0x1]  }
0x3: {  	s8 =	stileid.u32;
	s3 =	simm.s32 $0x0;
	s14 =	simm.s32 $0x11440  }
0x4: {  	s15 =	simm.s32 $0xD;
	s16 =	simm.s32 $0x50;
	s5 =	smul.u32 $0x9C4, s8  }
0x5: {  	s21 =	simm.s32 $0x8;
	s22 =	simm.s32 $0x9;
	s6 =	smul.u32 $0x9C40, s8  }
0x6: {  	s1 =	sand.u32 $0x1, s1;
	[smem:$0x7FF] =	sst s3;
	s8 =	smul.u32 $0x27100, s8  }
0x7: {  	s23 =	simm.s32 $0xA;
	s4 =	smul.u32 $0x9C400, s1;
	_ =	strace $0x8000004A  }
0x8: {  	s1 =	ssub.s32 $0x2, s1;
	s10 =	sadd.s32 s5, s0;
	s30 =	sshrl.u32 s8, $0x2  }
0x9: {  	s31 =	sshrl.u32 s1, $0x1;
	s7 =	sshrl.u32 s4, $0x3;
	s4 =	sadd.s32 s6, s4  }
0xa: {  	s8 =	sadd.s32 s30, s2;
	s1 =	ssub.s32 s1, s31;
	s9 =	sadd.s32 $0x34600, s10  }
0xb: {  	s10 =	sadd.s32 $0x2A800, s10;
	s11 =	sadd.s32 s7, s0;
	s4 =	sshrl.u32 s4, $0x3  }
0xc: {  	s5 =	sadd.s32 $0x1F40, s8;
	s7 =	sadd.s32 $0x5DC0, s8;
	s13 =	smax.u32 s1, $0x1  }
0xd: {  	s0 =	sadd.s32 s4, s0;
	s4 =	sadd.s32 s6, s2;
	s6 =	sadd.s32 $0x3E80, s8  }
0xe: {  	v0 =	vimm.f32 $0.0e+00;
	s8 =	sadd.s32 $0x7D00, s8;
	s11 =	sadd.s32 $0x3600, s11;
	s12 =	sadd.s32 $0x3E400, s0  }
.LBB2_1:
0xf: {  	s24 =	simm.s32 $0x100;
	s0 =	simm.s32 $0x0  }
.LBB2_2:
0x10: {  	p0 =	sne.s32 s24, $0x7C00;
	[tilespmem:s0+$0x11470] =	vst v0;
	s1 =	smov.u32 s24;
	s24 =	sadd.s32 $0x100, s24  }
.Ltmp0:
0x11: {  	[tilespmem:s0+$0x11460] =	vst v0;
	(pc) =	sbr.rel @p0 .LBB2_2-.Ltmp0, $3  }
0x12: {  	[tilespmem:s0+$0x11440] =	vst v0  }
0x13: {  	[tilespmem:s0+$0x11450] =	vst v0;
	_ =	sdelay $0x1  }
0x14: {  	s0 =	sshra.s32 s1, $0x2  }
0x15: {  	[tilespmem:s0+$0x11470] =	vst v0  }
0x16: {  	[tilespmem:s0+$0x11460] =	vst v0  }
0x17: {  	[tilespmem:s0+$0x11440] =	vst v0  }
0x18: {  	[tilespmem:s0+$0x11450] =	vst v0  }
0x19: {  	[spmem:s4] =	stream.linear.scatter [tilespmem:s14], [sflag:$0xD], $0x1F40, $0x38;
	[tilespmem:$0x1CFC0] =	vst v63  }
0x1a: {  	_ =	swait.ge [sflag:s15], $0x1F40  }
0x1b: {  	[sflag:s15] =	ssyncset.done $0x0  }
0x1c: {  	[sflag:s15] =	ssyncadd.s32 $0xFFFFE0C0  }
0x1d: {  	[spmem:s5] =	stream.linear.scatter [tilespmem:s14], [sflag:$0xD], $0x1F40, $0x38;
	[tilespmem:$0x1CFC0] =	vst v63  }
0x1e: {  	_ =	swait.ge [sflag:s15], $0x1F40  }
0x1f: {  	[sflag:s15] =	ssyncset.done $0x0  }
0x20: {  	[sflag:s15] =	ssyncadd.s32 $0xFFFFE0C0  }
0x21: {  	[spmem:s6] =	stream.linear.scatter [tilespmem:s14], [sflag:$0xD], $0x1F40, $0x38;
	[tilespmem:$0x1CFC0] =	vst v63  }
0x22: {  	_ =	swait.ge [sflag:s15], $0x1F40  }
0x23: {  	[sflag:s15] =	ssyncset.done $0x0  }
0x24: {  	[sflag:s15] =	ssyncadd.s32 $0xFFFFE0C0  }
0x25: {  	[spmem:s7] =	stream.linear.scatter [tilespmem:s14], [sflag:$0xD], $0x1F40, $0x38;
	[tilespmem:$0x1CFC0] =	vst v63  }
0x26: {  	_ =	swait.ge [sflag:s15], $0x1F40  }
0x27: {  	[sflag:s15] =	ssyncset.done $0x0  }
0x28: {  	[sflag:s15] =	ssyncadd.s32 $0xFFFFE0C0  }
0x29: {  	[spmem:s8] =	stream.linear.scatter [tilespmem:s14], [sflag:$0xD], $0x1F40, $0x38;
	[tilespmem:$0x1CFC0] =	vst v63  }
0x2a: {  	_ =	swait.ge [sflag:s15], $0x1F40  }
0x2b: {  	s0 =	simm.s32 $0x0;
	[sflag:s15] =	ssyncset.done $0x0  }
0x2c: {  	s24 =	simm.s32 $0x4E20;
	s1 =	simm.s32 $0x9C40;
	[sflag:s15] =	ssyncadd.s32 $0xFFFFE0C0  }
0x2d: {  	s18 =	simm.s32 $0xB040;
	p3 =	por $0x1, $0x1;
	[bflag:$0x0] =	sbarrier.arrive $0xFFFF  }
0x2e: {  	[tilespmem:s0], [sflag:$0xD] =	stream.linear.gather [hbm4b:s9+s0], $0x4E20, $0x38;
	[tilespmem:$0x1CFC0] =	vst v63  }
0x2f: {  	s17 =	simm.s32 $0xA0;
	s25 =	simm.s32 $0x1;
	_ =	swait.ge [sflag:s15], $0x4E20  }
0x30: {  	p0 =	por $0x1, $0x1;
	p1 =	por $0x0, $0x0;
	[sflag:s15] =	ssyncset.done $0x0  }
0x31: {  	p2 =	por p3, p3;
	s28 =	smul.u32 @!p0 $0xAB, s25;
	[sflag:s15] =	ssyncadd.s32 $0xFFFFB1E0  }
0x32: {  	[tilespmem:s24], [sflag:$0xD] =	stream.linear.gather [hbm4b:s10+s0], $0x4E20, $0x38;
	[tilespmem:$0x1CFC0] =	vst v63  }
0x33: {  	s29 =	simm.s32 @!p1 $0x3;
	s26 =	simm.s32 @!p2 $0xFFFFFFFD;
	_ =	swait.ge [sflag:s15], $0x4E20  }
0x34: {  	s29 =	smul.u32 @!p1 $0xAB, s29;
	s26 =	sand.u32 @!p2 $0xFF, s26;
	[sflag:s15] =	ssyncset.done $0x0  }
0x35: {  	s28 =	sshrl.u32 @!p0 s28, $0xA;
	s26 =	smul.u32 @!p2 $0xAB, s26;
	[sflag:s15] =	ssyncadd.s32 $0xFFFFB1E0  }
0x36: {  	[tilespmem:s1], [sflag:$0x1] =	stream.indirect.gather [hbm4b:s11+s16], $0x40, s0, s16, $0xb8;
	[tilespmem:$0x1CFC0] =	vst v63  }
0x37: {  	s28 =	sand.u32 @!p0 $0x3F, s28;
	s29 =	sshrl.u32 @!p1 s29, $0xA;
	s1 =	smul.u32 @!p3 $0xAB, s0  }
0x38: {  	[tilespmem:s18], [sflag:$0x2] =	stream.indirect.gather [hbm4b:s11+s16], $0x40, s16, s16, $0xb8;
	[tilespmem:$0x1CFC0] =	vst v63  }
0x39: {  	s28 =	smul.u32 @!p0 $0x6, s28;
	s26 =	sshrl.u32 @!p2 s26, $0xA;
	s1 =	sshrl.u32 @!p3 s1, $0xA  }
0x3a: {  	s29 =	sand.u32 @!p1 $0x3F, s29;
	s26 =	smul.u32 @!p2 $0x6, s26;
	s1 =	sand.u32 @!p3 $0x3F, s1  }
0x3b: {  	s28 =	ssub.s32 @!p0 $0x1, s28;
	s18 =	simm.s32 $0xC440;
	s1 =	smul.u32 @!p3 $0x6, s1  }
0x3c: {  	[tilespmem:s18], [sflag:$0x3] =	stream.indirect.gather [hbm4b:s11+s16], $0x40, s17, s16, $0xb8;
	[tilespmem:$0x1CFC0] =	vst v63  }
0x3d: {  	s30 =	sand.u32 @!p0 $0xFF, s28;
	s26 =	ssub.s32 @!p2 $0xFFFFFFFD, s26;
	s1 =	ssub.s32 @!p3 $0x0, s1  }
0x3e: {  	s17 =	sand.u32 @!p3 $0xFF, s1;
	s1 =	sand.u32 @!p2 $0xFF, s26;
	s26 =	smul.u32 @!p1 $0x6, s29  }
0x3f: {  	s31 =	simm.s32 $0x2;
	s30 =	smov.u32 @p0 s25;
	s1 =	sadd.s32 @!p2 $0x7, s1  }
0x40: {  	s20 =	smul.u32 $0x5000, s30;
	_ =	swait.ge @!p2 [sflag:s1], $0x1400;
	s26 =	ssub.s32 @!p1 $0x3, s26  }
0x41: {  	s17 =	smov.u32 @p3 s0;
	[sflag:s1] =	ssyncset.done @!p2 $0x0;
	s26 =	sand.u32 @!p1 $0xFF, s26  }
0x42: {  	s28 =	sadd.s32 $0x1, s17;
	[sflag:s1] =	ssyncadd.s32 @!p2 $0xFFFFEC00;
	s1 =	smul.u32 @!p1 $0x5000, s26  }
0x43: {  	s0 =	simm.s32 $0xF0;
	s29 =	smul.u32 $0x5000, s17;
	_ =	swait.ge [sflag:s28], $0x1400  }
0x44: {  	s26 =	sadd.s32 @!p1 $0x1, s26;
	[sflag:s28] =	ssyncset.done $0x0;
	s1 =	sshrl.u32 @!p1 s1, $0x2  }
0x45: {  	[sflag:s28] =	ssyncadd.s32 $0xFFFFEC00;
	s1 =	sadd.s32 @!p1 $0x9C40, s1;
	s28 =	simm.s32 @!p1 $0x50  }
0x46: {  	[tilespmem:s1], [sflag:s26] =	stream.indirect.gather @!p1 [hbm4b:s11+s28], $0x40, s0, s28, $0xb8;
	[tilespmem:$0x1CFC0] =	vst v63  }
0x47: {  	s19 =	sshra.s32 s29, $0x2;
	s29 =	sshra.s32 s20, $0x2;
	s26 =	simm.s32 $0x4E70  }
0x48: {  	s28 =	simm.s32 $0x140;
	s1 =	sadd.s32 $0x9C40, s19;
	s0 =	sadd.s32 $0x7, s17  }
.LBB2_4:
0x49: {  	[spmem:s2] =	stream.indirect.scatter.add.f32 [tilespmem:s1], [sflag:s0], $0x40, s24, s16, $0xb8;
	[tilespmem:$0x1CFC0] =	vst v63  }
0x4a: {  	s1 =	smov.u32 s31  }
0x4b: {  	s0 =	smov.u32 s30;
	s24 =	smov.u32 s26;
	p3 =	por p0, p0  }
0x4c: {  	s31 =	sadd.s32 $0x1, s31;
	p0 =	slt.u32 s1, $0x3;
	s17 =	sadd.s32 @!p3 $0xFFFFFFFD, s25  }
0x4d: {  	p2 =	sgt.u32 s25, $0xF6;
	s30 =	smul.u32 @!p0 $0xAB, s1;
	s18 =	sand.u32 @!p3 $0xFF, s17  }
0x4e: {  	s19 =	smov.u32 s28;
	p1 =	sne.s32 s31, $0xFA;
	s18 =	smul.u32 @!p3 $0xAB, s18  }
0x4f: {  	s20 =	sadd.s32 @!p2 $0x3, s25;
	s25 =	smov.u32 s1;
	s30 =	sshrl.u32 @!p0 s30, $0xA  }
0x50: {  	s1 =	sand.u32 @!p0 $0x3F, s30;
	s18 =	sshrl.u32 @!p3 s18, $0xA;
	s30 =	smul.u32 @!p2 $0xAB, s20  }
0x51: {  	s18 =	smul.u32 @!p3 $0x6, s18  }
0x52: {  	s1 =	smul.u32 @!p0 $0x6, s1  }
0x53: {  	s30 =	sshrl.u32 @!p2 s30, $0xA  }
0x54: {  	s17 =	ssub.s32 @!p3 s17, s18;
	s18 =	sand.u32 @!p2 $0x3F, s30;
	s1 =	ssub.s32 @!p0 s25, s1  }
0x55: {  	s17 =	sand.u32 @!p3 $0xFF, s17;
	s18 =	smul.u32 @!p2 $0x6, s18;
	s30 =	sand.u32 @!p0 $0xFF, s1  }
0x56: {  	s1 =	sadd.s32 @!p3 $0x7, s17;
	s30 =	smov.u32 @p0 s25  }
0x57: {  	_ =	swait.ge @!p3 [sflag:s1], $0x1400;
	s17 =	ssub.s32 @!p2 s20, s18;
	s18 =	sadd.s32 $0x1, s0  }
0x58: {  	s20 =	smul.u32 $0x5000, s30;
	[sflag:s1] =	ssyncset.done @!p3 $0x0;
	s17 =	sand.u32 @!p2 $0xFF, s17  }
0x59: {  	[sflag:s1] =	ssyncadd.s32 @!p3 $0xFFFFEC00;
	s1 =	smul.u32 @!p2 $0x5000, s17;
	s17 =	sadd.s32 @!p2 $0x1, s17  }
.Ltmp1:
0x5a: {  	s26 =	sadd.s32 $0x50, s26;
	_ =	swait.ge [sflag:s18], $0x1400;
	(pc) =	sbr.rel @p1 .LBB2_4-.Ltmp1, $4  }
0x5b: {  	s28 =	sadd.s32 $0x50, s28;
	[sflag:s18] =	ssyncset.done $0x0;
	s1 =	sshrl.u32 @!p2 s1, $0x2  }
0x5c: {  	[sflag:s18] =	ssyncadd.s32 $0xFFFFEC00;
	s1 =	sadd.s32 @!p2 $0x9C40, s1;
	s18 =	simm.s32 @!p2 $0x50  }
0x5d: {  	[tilespmem:s1], [sflag:s17] =	stream.indirect.gather @!p2 [hbm4b:s11+s18], $0x40, s19, s18, $0xb8;
	[tilespmem:$0x1CFC0] =	vst v63  }
0x5e: {  	s0 =	sadd.s32 $0x7, s0;
	s1 =	sadd.s32 $0x9C40, s29;
	s29 =	sshra.s32 s20, $0x2  }
0x5f: {  	[spmem:s2] =	stream.indirect.scatter.add.f32 [tilespmem:s1], [sflag:s0], $0x40, s24, s16, $0xb8;
	[tilespmem:$0x1CFC0] =	vst v63  }
0x60: {  	p1 =	por p0, p0  }
0x61: {  	s0 =	sadd.s32 @!p1 $0xFFFFFFFD, s25  }
0x62: {  	s1 =	sand.u32 @!p1 $0xFF, s0  }
0x63: {  	p0 =	sgt.u32 s25, $0xF6;
	s1 =	smul.u32 @!p1 $0xAB, s1  }
0x64: {  	s17 =	sadd.s32 @!p0 $0x3, s25  }
0x65: {  	s18 =	smul.u32 @!p0 $0xAB, s17;
	s1 =	sshrl.u32 @!p1 s1, $0xA  }
0x66: {  	s1 =	smul.u32 @!p1 $0x6, s1  }
0x67: {  	s18 =	sshrl.u32 @!p0 s18, $0xA  }
0x68: {  	s0 =	ssub.s32 @!p1 s0, s1;
	s1 =	sand.u32 @!p0 $0x3F, s18  }
0x69: {  	s0 =	sand.u32 @!p1 $0xFF, s0;
	s1 =	smul.u32 @!p0 $0x6, s1  }
0x6a: {  	s0 =	sadd.s32 @!p1 $0x7, s0  }
0x6b: {  	_ =	swait.ge @!p1 [sflag:s0], $0x1400;
	s1 =	ssub.s32 @!p0 s17, s1  }
0x6c: {  	[sflag:s0] =	ssyncset.done @!p1 $0x0;
	s1 =	sand.u32 @!p0 $0xFF, s1  }
0x6d: {  	s25 =	sadd.s32 $0x1, s30;
	[sflag:s0] =	ssyncadd.s32 @!p1 $0xFFFFEC00;
	s0 =	smul.u32 @!p0 $0x5000, s1  }
0x6e: {  	_ =	swait.ge [sflag:s25], $0x1400  }
0x6f: {  	s17 =	simm.s32 @!p0 $0x50;
	[sflag:s25] =	ssyncset.done $0x0;
	s0 =	sshrl.u32 @!p0 s0, $0x2  }
0x70: {  	s1 =	sadd.s32 @!p0 $0x1, s1;
	[sflag:s25] =	ssyncadd.s32 $0xFFFFEC00;
	s0 =	sadd.s32 @!p0 $0x9C40, s0  }
0x71: {  	[tilespmem:s0], [sflag:s1] =	stream.indirect.gather @!p0 [hbm4b:s11+s17], $0x40, s28, s17, $0xb8;
	[tilespmem:$0x1CFC0] =	vst v63  }
0x72: {  	s28 =	sadd.s32 $0x9C40, s29;
	s29 =	sadd.s32 $0x7, s30  }
0x73: {  	[spmem:s2] =	stream.indirect.scatter.add.f32 [tilespmem:s28], [sflag:s29], $0x40, s26, s16, $0xb8;
	[tilespmem:$0x1CFC0] =	vst v63  }
0x74: {  	_ =	swait.ge [sflag:s21], $0x1400  }
0x75: {  	[sflag:s21] =	ssyncset.done $0x0  }
0x76: {  	[sflag:s21] =	ssyncadd.s32 $0xFFFFEC00  }
0x77: {  	_ =	swait.ge [sflag:s22], $0x1400  }
0x78: {  	[sflag:s22] =	ssyncset.done $0x0  }
0x79: {  	[sflag:s22] =	ssyncadd.s32 $0xFFFFEC00  }
0x7a: {  	s31 =	sshrl.u32 s4, $0x3;
	_ =	swait.ge [sflag:s23], $0x1400  }
0x7b: {  	s3 =	sadd.s32 $0x1, s3;
	s30 =	stileid.u32;
	[sflag:s23] =	ssyncset.done $0x0  }
0x7c: {  	p0 =	sne.s32 s3, s13;
	s0 =	sshll.u32 s30, $0x6;
	[sflag:s23] =	ssyncadd.s32 $0xFFFFEC00  }
.Ltmp2:
0x7d: {  	s0 =	sor.u32 $0x1C0D, s0;
	[bflag:$0x0] =	sbarrier.arrive $0xFFFF;
	(pc) =	sbr.rel @p0 .LBB2_1-.Ltmp2, $4  }
0x7e: {  	[hbm:s12], [sflag:s0] =	dma.local [spmem:s31], $0x1388  }
0x7f: {  	_ =	swait.ge [sflag:s15], $0x1388  }
0x80: {  	[sflag:s15] =	ssyncset.done $0x0  }
0x81: {  	[sflag:s15] =	ssyncadd.s32 $0xFFFFEC78  }
0x82: {  	_ =	sfence.sel $0x180000  }
0x83: {  	[bflag:$0x0] =	sbarrier.arrive $0xFFFF  }
0x84: {  	_ =	strace $0x9000004A  }
0x85: {  	s0 =	stileid.u32;
	[bflag:$0x2] =	sbarrier.arrive $0xFFFF  }
0x86: {  	p0 =	sne.s32 s0, $0x0;
	s0 =	rddreg [dreg:$0x2]  }
0x87: {  	s0 =	sadd.s32 @!p0 $0x100000, s0  }
0x88: {  	[sflag:s0] =	ssyncadd.tile.s32 @!p0 $0x1;
	_ =	shalt  }
.Lfunc_end2:
_tile_overlayer_lowered:
.L_overlay_start_2:
0x89: {  	(tag) =	ssettag $0x2  }
0x8a: {  	s0 =	rddreg [dreg:$0x0];
	s2 =	stileid.u32  }
0x8b: {  	s1 =	rddreg [dreg:$0x1];
	p0 =	sne.s32 s2, $0x0  }
0x8c: {  	s3 =	rddreg [dreg:$0x2];
	[bflag:$0x3] =	sbarrier.arrive $0xFFFF;
	s2 =	simm.s32 @!p0 $0x1C0D  }
0x8d: {  	[timem:s3], [sflag:s2] =	dma.local @!p0 [hbm:s0], s1  }
0x8e: {  	s0 =	simm.s32 @!p0 $0xD  }
0x8f: {  	_ =	swait.ge @!p0 [sflag:s0], s1  }
0x90: {  	s1 =	ssub.s32 @!p0 $0x0, s1;
	[sflag:s0] =	ssyncset.done @!p0 $0x0  }
0x91: {  	[sflag:s0] =	ssyncadd.s32 @!p0 s1  }
0x92: {  	[bflag:$0x3] =	sbarrier.arrive $0xFFFF  }
0x93: {  	_ =	shalt  }

// kernel: sc_agg_cnt.3.cloned.1.call-start
scs
__scs_entry_jumppad:
0x0: {  	(pc) =	sbr.rel $0x88, $3  }
0x1: {  	(tag) =	ssettag $0x0;
	lr =	simm.s32 $0x1  }
0x2: {  	[smem:$0x3F94] =	sst lr;
	_ =	strace $0xD0000000  }
0x3: {  	_ = 	snop  }
0x4: {  	_ = 	snop  }
0x5: {  	_ = 	snop  }
0x6: {  	_ = 	snop  }
0x7: {  	_ = 	snop  }
__scs_overlays_trampoline_lowered:
0x8: {  	[smem:$0x3FA3] =	sst s0  }
0x9: {  	[smem:$0x3FA4] =	sst s1  }
0xa: {  	[smem:$0x3FA5] =	sst s2  }
0xb: {  	[smem:$0x3FA6] =	sst s3  }
0xc: {  	[smem:$0x3FA7] =	sst s4  }
0xd: {  	[smem:$0x3FA8] =	sst s5  }
0xe: {  	[smem:$0x3FA9] =	sst s6  }
0xf: {  	[smem:$0x3FAA] =	sst s7  }
0x10: {  	[smem:$0x3FAB] =	sst s8  }
0x11: {  	[smem:$0x3FAC] =	sst s9;
	s0 =	simm.s32 @!p0 $0x0  }
0x12: {  	s1 =	sld [smem:$0x3F92];
	s0 =	simm.s32 @p0 $0x1  }
0x13: {  	[smem:$0x3FAD] =	sst s0;
	s0 =	simm.s32 @!p1 $0x0  }
0x14: {  	s2 =	sld [smem:$0x3F91];
	s0 =	simm.s32 @p1 $0x1  }
0x15: {  	[smem:$0x3FAE] =	sst s0;
	s0 =	simm.s32 @!p2 $0x0  }
0x16: {  	s3 =	sld [smem:$0x3FDB];
	s0 =	simm.s32 @p2 $0x1  }
0x17: {  	s4 =	simm.s32 $0x1BF5;
	[smem:$0x3FB0] =	sst s0  }
0x18: {  	s0 =	sld [smem:$0x3F93];
	_ =	swait.ge [sflag:s4], $0x0  }
0x19: {  	s7 =	sld [smem:$0x3F94]  }
0x1a: {  	s8 =	sadd.s32 $0xFFFFE003, lr  }
0x1b: {  	s9 =	sadd.s32 $0xFFFFFEF7, lr;
	s5 =	simm.s32 $0xFFFFFFFF;
	p2 =	slt.u32 s8, $0xFFFFF086  }
0x1c: {  	p1 =	slt.u32 s9, $0xF7A;
	s5 =	simm.s32 @!p2 $0x0  }
0x1d: {  	s5 =	simm.s32 @p1 $0x1;
	p0 =	seq.s32 s7, s2  }
0x1e: {  	s7 =	smul.u32 @!p0 $0xF7A, s2;
	p2 =	seq.s32 @!p0 s5, $0x0  }
0x1f: {  	s9 =	smul.u32 $0xF7A, s1;
	s8 =	simm.s32 @!p0 $0x1BF5;
	p2 =	por !p2, p0  }
0x20: {  	[sflag:s8] =	ssyncset.s32 @!p0 $0xFFFFF086;
	s6 =	sadd.s32 @!p0 s3, s7;
	s7 =	simm.s32 @!p0 $0x108  }
0x21: {  	s3 =	sadd.s32 s3, s9;
	s6 =	sadd.s32 @!p0 $0x88, s6;
	s7 =	simm.s32 @p2 $0x1082  }
0x22: {  	[simem:s7], [sflag:s8] =	dma.local @!p0 [hbm:s6], $0xF7A  }
0x23: {  	s9 =	sor.u32 $0xD0000000, s2;
	s6 =	simm.s32 $0x108;
	_ =	swait.ge @!p0 [sflag:s8], $0x0  }
0x24: {  	s3 =	sadd.s32 $0x88, s3;
	s6 =	simm.s32 @!p1 $0x1082;
	[sflag:s4] =	ssyncset.s32 $0xFFFFF086  }
0x25: {  	[simem:s6], [sflag:s4] =	dma.local [hbm:s3], $0xF7A  }
0x26: {  	[smem:$0x3F94] =	sst s1;
	(tag) =	ssettag s2;
	_ =	strace s9  }
0x27: {  	s1 =	sld [smem:$0x3FA4]  }
0x28: {  	s2 =	sld [smem:$0x3FA5]  }
0x29: {  	s4 =	sld [smem:$0x3FA7]  }
0x2a: {  	p0 =	seq.s32 s5, $0x0;
	s5 =	sld [smem:$0x3FA8]  }
0x2b: {  	s6 =	sld [smem:$0x3FA9]  }
0x2c: {  	s7 =	sld [smem:$0x3FAA]  }
0x2d: {  	s3 =	simm.s32 $0x108;
	s8 =	sld [smem:$0x3FAB]  }
0x2e: {  	s3 =	simm.s32 @!p0 $0x1082;
	s9 =	sld [smem:$0x3FAC]  }
0x2f: {  	lr =	sadd.s32 s0, s3;
	s0 =	sld [smem:$0x3FA3]  }
0x30: {  	s3 =	sld [smem:$0x3FA6]  }
0x31: {  	[smem:$0x3FAF] =	sst s10  }
0x32: {  	s10 =	sld [smem:$0x3FAD];
	_ =	sdelay $0x3  }
0x33: {  	p0 =	seq.s32 s10, $0x1;
	s10 =	sld [smem:$0x3FAF];
	_ =	sdelay $0x3  }
0x34: {  	[smem:$0x3FAF] =	sst s10  }
0x35: {  	s10 =	sld [smem:$0x3FAE];
	_ =	sdelay $0x3  }
0x36: {  	p1 =	seq.s32 s10, $0x1;
	s10 =	sld [smem:$0x3FAF];
	_ =	sdelay $0x3  }
0x37: {  	[smem:$0x3FAF] =	sst s10  }
0x38: {  	s10 =	sld [smem:$0x3FB0]  }
0x39: {  	_ = 	snop;
	(pc) =	sbr.ind lr, $3  }
0x3a: {  	_ = 	snop  }
0x3b: {  	_ = 	snop  }
0x3c: {  	p2 =	seq.s32 s10, $0x1;
	s10 =	sld [smem:$0x3FAF]  }
0x3d: {  	_ =	shalt  }
0x3e: {  	_ =	shalt  }
0x3f: {  	_ =	shalt  }
0x40: {  	_ =	shalt  }
0x41: {  	_ =	shalt  }
0x42: {  	_ =	shalt  }
0x43: {  	_ =	shalt  }
0x44: {  	_ =	shalt  }
0x45: {  	_ =	shalt  }
0x46: {  	_ =	shalt  }
0x47: {  	_ =	shalt  }
0x48: {  	_ =	shalt  }
0x49: {  	_ =	shalt  }
0x4a: {  	_ =	shalt  }
0x4b: {  	_ =	shalt  }
0x4c: {  	_ =	shalt  }
0x4d: {  	_ =	shalt  }
0x4e: {  	_ =	shalt  }
0x4f: {  	_ =	shalt  }
0x50: {  	_ =	shalt  }
0x51: {  	_ =	shalt  }
0x52: {  	_ =	shalt  }
0x53: {  	_ =	shalt  }
0x54: {  	_ =	shalt  }
0x55: {  	_ =	shalt  }
0x56: {  	_ =	shalt  }
0x57: {  	_ =	shalt  }
0x58: {  	_ =	shalt  }
0x59: {  	_ =	shalt  }
0x5a: {  	_ =	shalt  }
0x5b: {  	_ =	shalt  }
0x5c: {  	_ =	shalt  }
0x5d: {  	_ =	shalt  }
0x5e: {  	_ =	shalt  }
0x5f: {  	_ =	shalt  }
0x60: {  	_ =	shalt  }
0x61: {  	_ =	shalt  }
0x62: {  	_ =	shalt  }
0x63: {  	_ =	shalt  }
0x64: {  	_ =	shalt  }
0x65: {  	_ =	shalt  }
0x66: {  	_ =	shalt  }
0x67: {  	_ =	shalt  }
0x68: {  	_ =	shalt  }
0x69: {  	_ =	shalt  }
0x6a: {  	_ =	shalt  }
0x6b: {  	_ =	shalt  }
0x6c: {  	_ =	shalt  }
0x6d: {  	_ =	shalt  }
0x6e: {  	_ =	shalt  }
0x6f: {  	_ =	shalt  }
0x70: {  	_ =	shalt  }
0x71: {  	_ =	shalt  }
0x72: {  	_ =	shalt  }
0x73: {  	_ =	shalt  }
0x74: {  	_ =	shalt  }
0x75: {  	_ =	shalt  }
0x76: {  	_ =	shalt  }
0x77: {  	_ =	shalt  }
0x78: {  	_ =	shalt  }
0x79: {  	_ =	shalt  }
0x7a: {  	_ =	shalt  }
0x7b: {  	_ =	shalt  }
0x7c: {  	_ =	shalt  }
0x7d: {  	_ =	shalt  }
0x7e: {  	_ =	shalt  }
0x7f: {  	_ =	shalt  }
0x80: {  	_ =	shalt  }
0x81: {  	_ =	shalt  }
0x82: {  	_ =	shalt  }
0x83: {  	_ =	shalt  }
0x84: {  	_ =	shalt  }
0x85: {  	_ =	shalt  }
0x86: {  	_ =	shalt  }
0x87: {  	_ =	shalt  }
.Lfunc_end0:
.L_simem_size_0:
called_computation_lowered:
.L_overlay_start_0:
0x88: {  	s2 =	sld [smem:$0x3FD9]  }
0x89: {  	s3 =	sld [smem:$0x3FFE];
	_ =	sdelay $0x1  }
0x8a: {  	s1 =	srdreg.scid  }
0x8b: {  	s0 =	sand.u32 $0x1, s1  }
0x8c: {  	s16 =	sshll.u32 s0, $0xA;
	s2 =	sadd.s32 s3, s2  }
0x8d: {  	s2 =	sadd.s32 s2, s16  }
0x8e: {  	[smem:$0x3FBB] =	sst s2  }
0x8f: {  	_ = 	snop  }
0x90: {  	(tm) =	ssettm $0x1  }
0x91: {  	s17 =	sld [smem:$0x3FFB];
	_ =	sdelay $0x3  }
0x92: {  	_ =	strace s17  }
0x93: {  	s2 =	sld [smem:$0x3FFC];
	_ =	sdelay $0x3  }
0x94: {  	_ =	strace s2  }
0x95: {  	s2 =	sld [smem:$0x3FFD];
	_ =	sdelay $0x3  }
0x96: {  	_ =	strace s2  }
0x97: {  	_ =	strace $0x8FFFFFFF  }
0x98: {  	s18 =	sld [smem:$0x3FDB];
	_ =	sdelay $0x1  }
0x99: {  	s19 =	simm.s32 $_scs_section_size  }
0x9a: {  	s4 =	simm.s32 $_size__tile_overlayer_lowered;
	s5 =	simm.s32 $_tile_overlayer_lowered  }
0x9b: {  	s22 =	simm.s32 $0x1BFF;
	s21 =	sshll.u32 s5, $0x1;
	s2 =	sadd.s32 s19, s18  }
0x9c: {  	s6 =	simm.s32 $0x0;
	s20 =	sshll.u32 s4, $0x1;
	s4 =	sadd.s32 s21, s2  }
0x9d: {  	[timem:s6], [sflag:s22] =	dma.local [hbm:s4], s20  }
0x9e: {  	_ =	swait.ge [sflag:s22], s20  }
0x9f: {  	s3 =	ssub.s32 $0x0, s20;
	[sflag:s22] =	ssyncset.done $0x0  }
0xa0: {  	[sflag:s22] =	ssyncadd.s32 s3;
	_ =	sdelay $0x1  }
0xa1: {  	s23 =	simm.s32 $0x1B8B  }
0xa2: {  	_ =	swait.ge [sflag:s23], $0x1  }
0xa3: {  	[sflag:s23] =	ssyncset.done $0x0  }
0xa4: {  	s25 =	simm.s32 $0x1B8E;
	s24 =	sld [smem:$0x3FFE];
	[sflag:s23] =	ssyncadd.s32 $0xFFFFFFFF  }
0xa5: {  	s26 =	simm.s32 $execute0_lowered;
	[smem:$0x3FD2] =	sst s25  }
0xa6: {  	s4 =	sshll.u32 s26, $0x1;
	_ =	strace $0x80000046;
	[dreg:$0x1] =	wrdreg $0xFFFFFFFF  }
0xa7: {  	s28 =	simm.s32 $_size_execute0_lowered;
	s2 =	sadd.s32 s2, s4;
	[dreg:$0x0] =	wrdreg $0x0  }
0xa8: {  	s4 =	sshll.u32 s28, $0x1;
	[dreg:$0x2] =	wrdreg s2  }
0xa9: {  	[dreg:$0x3] =	wrdreg s4  }
0xaa: {  	[dreg:$0x4] =	wrdreg $0xC0  }
0xab: {  	_ =	task [dreg:s6], $0x5FFFF  }
0xac: {  	[dreg:$0x1] =	wrdreg $0xFFFFFFFF  }
0xad: {  	[dreg:$0x0] =	wrdreg $0x60  }
0xae: {  	[dreg:$0x2] =	wrdreg s24  }
0xaf: {  	[dreg:$0x3] =	wrdreg $0x137900  }
0xb0: {  	[dreg:$0x4] =	wrdreg $0x1D3D00  }
0xb1: {  	[dreg:$0x5] =	wrdreg $0x9  }
0xb2: {  	_ =	task.clear_ibuf [dreg:s6], $0x6FFFF;
	_ =	strace $0x90000046  }
0xb3: {  	s29 =	simm.s32 $0x9;
	_ =	strace $0x80000048  }
0xb4: {  	_ =	swait.ge [sflag:s29], $0x1  }
0xb5: {  	[sflag:s29] =	ssyncadd.s32 $0xFFFFFFFF  }
0xb6: {  	_ =	strace $0x90000048  }
0xb7: {  	_ =	sfence  }
0xb8: {  	s30 =	sld [smem:$0x0];
	_ =	sdelay $0x2  }
0xb9: {  	s31 =	sshll.u32 s1, $0xD;
	s1 =	sshrl.u32 s1, $0x2  }
0xba: {  	s3 =	sand.u32 $0x4000, s31;
	s1 =	sadd.s32 s1, s30  }
0xbb: {  	s0 =	sor.u32 s3, s0;
	s1 =	sshll.u32 s1, $0x11  }
0xbc: {  	s0 =	sor.u32 s1, s0  }
0xbd: {  	s0 =	sadd.s32 $0x8F2B, s0  }
0xbe: {  	[sflag:s0] =	ssyncadd.remote.s32 $0x1  }
0xbf: {  	_ =	sfence.sel $0xFFFF  }
0xc0: {  	[dreg:$0x0] =	wrdreg $0xFFFFFFFF;
	(pc) =	sbr.abs _section_cstart, $3  }
0xc1: {  	[dreg:$0x1] =	wrdreg $0xFFFFFFFF  }
0xc2: {  	_ =	task.clear_ibuf [dreg:s6], $0x2FFFF;
	_ =	strace $0x9FFFFFFF  }
0xc3: {  	(tm) =	ssettm $0x7FFFFFFF  }
tec
execute0_lowered:
.L_overlay_start_1:
0x0: {  	(tag) =	ssettag $0x1  }
0x1: {  	s0 =	rddreg [dreg:$0x0]  }
0x2: {  	s1 =	rddreg [dreg:$0x1];
	s11 =	stileid.u32  }
0x3: {  	s2 =	srdreg.scid;
	s6 =	smul.u32 $0x9C4, s11  }
0x4: {  	s3 =	rddreg [dreg:$0x2];
	s5 =	simm.s32 $0x0;
	s7 =	smul.u32 $0x9C40, s11  }
0x5: {  	s18 =	simm.s32 $0xF140;
	s29 =	simm.s32 $0x2;
	s8 =	smul.u32 $0x2710, s11  }
0x6: {  	s4 =	sand.u32 $0x1, s2;
	[smem:$0x7FF] =	sst s5;
	s11 =	smul.u32 $0x27100, s11  }
0x7: {  	s28 =	simm.s32 $0x0;
	s2 =	smul.u32 $0x9C400, s4;
	_ =	strace $0x80000047  }
0x8: {  	s10 =	smul.u32 $0x27100, s4;
	s20 =	ssub.s32 $0x2, s4;
	p0 =	sne.s32 s4, $0x0  }
0x9: {  	p1 =	seq.s32 s4, $0x0;
	s12 =	sadd.s32 s6, s0;
	s11 =	sshrl.u32 s11, $0x2  }
0xa: {  	s21 =	sshrl.u32 s20, $0x1;
	s9 =	sshrl.u32 s2, $0x3;
	s2 =	sadd.s32 s7, s2  }
0xb: {  	s19 =	sadd.s32 s8, s10;
	s11 =	sadd.s32 s11, s1;
	s10 =	ssub.s32 s20, s21  }
0xc: {  	s26 =	sadd.s32 $0x34600, s12;
	s30 =	sadd.s32 $0x2A800, s12;
	s20 =	simm.s32 $0x5  }
0xd: {  	s9 =	sadd.s32 s9, s0;
	s2 =	sshrl.u32 s2, $0x3;
	s6 =	sshrl.u32 s19, $0x3  }
0xe: {  	s22 =	sadd.s32 $0x1F40, s11;
	s23 =	sadd.s32 $0x3E80, s11;
	[dreg:$0x8] =	wrdreg s26  }
0xf: {  	s24 =	sadd.s32 $0x5DC0, s11;
	s25 =	sadd.s32 $0x7D00, s11;
	[dreg:$0x9] =	wrdreg s30  }
0x10: {  	s11 =	sadd.s32 s8, s3;
	s31 =	smax.u32 s10, $0x1;
	[dreg:$0x4] =	wrdreg s22  }
0x11: {  	s19 =	simm.s32 $0xA;
	s26 =	simm.s32 $0x9;
	[dreg:$0x5] =	wrdreg s23  }
0x12: {  	s2 =	sadd.s32 s2, s0;
	s0 =	sadd.s32 s6, s0;
	[dreg:$0x6] =	wrdreg s24  }
0x13: {  	s6 =	sadd.s32 s7, s1;
	[dreg:$0x7] =	wrdreg s25;
	s14 =	sadd.s32 $0x3600, s9  }
0x14: {  	[dreg:$0xc] =	wrdreg s31;
	s22 =	simm.s32 $0x50;
	s2 =	sadd.s32 $0x48200, s2  }
0x15: {  	s24 =	simm.s32 $0xB040;
	s0 =	sadd.s32 $0x3E400, s0;
	[dreg:$0xa] =	wrdreg s2  }
0x16: {  	v0 =	vimm.f32 $0.0e+00;
	v1 =	vimm.f32 $1.000000000e+00;
	s25 =	simm.s32 $0x1;
	[dreg:$0xb] =	wrdreg s0;
	s2 =	simm.s32 $0x6  }
.LBB2_1:
0x17: {  	s7 =	simm.s32 $0x100;
	s0 =	simm.s32 $0x0  }
.LBB2_2:
0x18: {  	p2 =	sne.s32 s7, $0x7C00;
	[tilespmem:s0+$0xF170] =	vst v0;
	s8 =	smov.u32 s7;
	s7 =	sadd.s32 $0x100, s7  }
.Ltmp0:
0x19: {  	[tilespmem:s0+$0xF160] =	vst v0;
	(pc) =	sbr.rel @p2 .LBB2_2-.Ltmp0, $3  }
0x1a: {  	[tilespmem:s0+$0xF140] =	vst v0  }
0x1b: {  	[tilespmem:s0+$0xF150] =	vst v0;
	_ =	sdelay $0x1  }
0x1c: {  	s0 =	sshra.s32 s8, $0x2  }
0x1d: {  	[tilespmem:s0+$0xF170] =	vst v0  }
0x1e: {  	[tilespmem:s0+$0xF160] =	vst v0  }
0x1f: {  	[tilespmem:s0+$0xF140] =	vst v0  }
0x20: {  	[tilespmem:s0+$0xF150] =	vst v0  }
0x21: {  	[spmem:s6] =	stream.linear.scatter [tilespmem:s18], [sflag:$0xA], $0x1F40, $0x38;
	[tilespmem:$0x1FAE0] =	vst v63  }
0x22: {  	_ =	swait.ge [sflag:s19], $0x1F40  }
0x23: {  	[sflag:s19] =	ssyncset.done $0x0  }
0x24: {  	s21 =	rddreg [dreg:$0x4];
	[sflag:s19] =	ssyncadd.s32 $0xFFFFE0C0  }
0x25: {  	[spmem:s21] =	stream.linear.scatter [tilespmem:s18], [sflag:$0xA], $0x1F40, $0x38;
	[tilespmem:$0x1FAE0] =	vst v63  }
0x26: {  	_ =	swait.ge [sflag:s19], $0x1F40  }
0x27: {  	[sflag:s19] =	ssyncset.done $0x0  }
0x28: {  	s23 =	rddreg [dreg:$0x5];
	[sflag:s19] =	ssyncadd.s32 $0xFFFFE0C0  }
0x29: {  	[spmem:s23] =	stream.linear.scatter [tilespmem:s18], [sflag:$0xA], $0x1F40, $0x38;
	[tilespmem:$0x1FAE0] =	vst v63  }
0x2a: {  	_ =	swait.ge [sflag:s19], $0x1F40  }
0x2b: {  	[sflag:s19] =	ssyncset.done $0x0  }
0x2c: {  	s30 =	rddreg [dreg:$0x6];
	[sflag:s19] =	ssyncadd.s32 $0xFFFFE0C0  }
0x2d: {  	[spmem:s30] =	stream.linear.scatter [tilespmem:s18], [sflag:$0xA], $0x1F40, $0x38;
	[tilespmem:$0x1FAE0] =	vst v63  }
0x2e: {  	_ =	swait.ge [sflag:s19], $0x1F40  }
0x2f: {  	[sflag:s19] =	ssyncset.done $0x0  }
0x30: {  	s31 =	rddreg [dreg:$0x7];
	[sflag:s19] =	ssyncadd.s32 $0xFFFFE0C0  }
0x31: {  	[spmem:s31] =	stream.linear.scatter [tilespmem:s18], [sflag:$0xA], $0x1F40, $0x38;
	[tilespmem:$0x1FAE0] =	vst v63  }
0x32: {  	_ =	swait.ge [sflag:s19], $0x1F40  }
0x33: {  	[sflag:s19] =	ssyncset.done $0x0  }
0x34: {  	s0 =	simm.s32 $0x40;
	s7 =	simm.s32 $0x0;
	[sflag:s19] =	ssyncadd.s32 $0xFFFFE0C0  }
.LBB2_4:
0x35: {  	p2 =	sne.s32 s0, $0x9C00;
	[tilespmem:s7+$0x11080] =	vst v0;
	s7 =	smov.u32 s0;
	s0 =	sadd.s32 $0x40, s0  }
.Ltmp1:
0x36: {  	(pc) =	sbr.rel @p2 .LBB2_4-.Ltmp1, $2  }
0x37: {  	_ =	sdelay $0x2  }
0x38: {  	s7 =	sshra.s32 s7, $0x2  }
0x39: {  	[tilespmem:s7+$0x11080] =	vst v0;
	s0 =	simm.s32 $0x11080  }
0x3a: {  	[spmem:s11] =	stream.linear.scatter [tilespmem:s0], [sflag:$0xA], $0x2710, $0x38;
	[tilespmem:$0x1FAE0] =	vst v63  }
0x3b: {  	_ =	swait.ge [sflag:s19], $0x2710  }
0x3c: {  	[sflag:s19] =	ssyncset.done $0x0  }
0x3d: {  	s7 =	simm.s32 $0x0;
	s0 =	simm.s32 $0x40;
	[sflag:s19] =	ssyncadd.s32 $0xFFFFD8F0  }
.LBB2_6:
0x3e: {  	p2 =	sne.s32 s0, $0x13C0;
	[tilespmem:s7+$0xEC40] =	vst v1;
	s7 =	smov.u32 s0;
	s0 =	sadd.s32 $0x40, s0  }
.Ltmp2:
0x3f: {  	(pc) =	sbr.rel @p2 .LBB2_6-.Ltmp2, $2  }
0x40: {  	_ =	sdelay $0x2  }
0x41: {  	s7 =	sshra.s32 s7, $0x2  }
0x42: {  	[tilespmem:s7+$0xEC40] =	vst v1  }
0x43: {  	[bflag:$0x0] =	sbarrier.arrive $0xFFFF  }
0x44: {  	s0 =	rddreg [dreg:$0x8]  }
0x45: {  	[tilespmem:s5], [sflag:$0xA] =	stream.linear.gather [hbm4b:s0+s5], $0x4E20, $0x38;
	[tilespmem:$0x1FAE0] =	vst v63  }
0x46: {  	_ =	swait.ge [sflag:s19], $0x4E20  }
0x47: {  	[sflag:s19] =	ssyncset.done $0x0  }
0x48: {  	s10 =	simm.s32 $0x4E20;
	s9 =	rddreg [dreg:$0x9];
	[sflag:s19] =	ssyncadd.s32 $0xFFFFB1E0  }
0x49: {  	[tilespmem:s10], [sflag:$0xA] =	stream.linear.gather [hbm4b:s9+s5], $0x4E20, $0x38;
	[tilespmem:$0x1FAE0] =	vst v63  }
0x4a: {  	_ =	swait.ge [sflag:s19], $0x4E20  }
0x4b: {  	[sflag:s19] =	ssyncset.done $0x0  }
0x4c: {  	s12 =	simm.s32 $0x9C40;
	[sflag:s19] =	ssyncadd.s32 $0xFFFFB1E0  }
0x4d: {  	[tilespmem:s12], [sflag:$0x1] =	stream.indirect.gather [hbm4b:s14+s22], $0x40, s5, s22, $0xb8;
	[tilespmem:$0x1FAE0] =	vst v63  }
0x4e: {  	_ = 	snop  }
0x4f: {  	[tilespmem:s24], [sflag:$0x2] =	stream.indirect.gather [hbm4b:s14+s22], $0x40, s22, s22, $0xb8;
	[tilespmem:$0x1FAE0] =	vst v63  }
0x50: {  	_ =	swait.ge [sflag:s25], $0x1400  }
0x51: {  	[sflag:s25] =	ssyncset.done $0x0  }
0x52: {  	s8 =	simm.s32 $0xA0;
	s9 =	simm.s32 $0xC440;
	[sflag:s25] =	ssyncadd.s32 $0xFFFFEC00  }
0x53: {  	[tilespmem:s9], [sflag:$0x3] =	stream.indirect.gather [hbm4b:s14+s22], $0x40, s8, s22, $0xb8;
	[tilespmem:$0x1FAE0] =	vst v63  }
0x54: {  	_ = 	snop  }
0x55: {  	[spmem:s1] =	stream.indirect.scatter.add.f32 [tilespmem:s12], [sflag:$0x5], $0x40, s10, s22, $0xb8;
	[tilespmem:$0x1FAE0] =	vst v63  }
0x56: {  	s7 =	simm.s32 @!p0 $0x4E20;
	s0 =	simm.s32 @!p0 $0x50;
	s8 =	simm.s32 @!p0 $0xEC40  }
0x57: {  	[spmem:s3] =	stream.indirect.scatter.add.f32 @!p0 [tilespmem:s8], [sflag:$0x9], $0x10, s7, s0, $0xb8;
	[tilespmem:$0x1FAE0] =	vst v63  }
0x58: {  	_ =	swait.ge [sflag:s29], $0x1400  }
0x59: {  	s13 =	simm.s32 $0xF0;
	s17 =	simm.s32 $0x2;
	[sflag:s29] =	ssyncset.done $0x0  }
0x5a: {  	s15 =	simm.s32 $0xD840;
	s12 =	sand.u32 $0x3, s17;
	[sflag:s29] =	ssyncadd.s32 $0xFFFFEC00  }
0x5b: {  	[tilespmem:s15], [sflag:$0x4] =	stream.indirect.gather [hbm4b:s14+s22], $0x40, s13, s22, $0xb8;
	[tilespmem:$0x1FAE0] =	vst v63  }
0x5c: {  	s16 =	simm.s32 $0x4E70;
	s21 =	sxor.u32 $0x2, s12  }
0x5d: {  	[spmem:s1] =	stream.indirect.scatter.add.f32 [tilespmem:s24], [sflag:$0x6], $0x40, s16, s22, $0xb8;
	[tilespmem:$0x1FAE0] =	vst v63  }
0x5e: {  	s0 =	simm.s32 @!p1 $0x50;
	s7 =	simm.s32 @!p1 $0x4E70;
	s8 =	simm.s32 @!p1 $0xEC40  }
0x5f: {  	[spmem:s3] =	stream.indirect.scatter.add.f32 @!p1 [tilespmem:s8], [sflag:$0x9], $0x10, s7, s0, $0xb8;
	[tilespmem:$0x1FAE0] =	vst v63  }
0x60: {  	s7 =	sadd.s32 $0x5, s21  }
0x61: {  	p3 =	por $0x0, $0x0;
	s0 =	sand.u32 $0x1, s17;
	_ =	swait.ge [sflag:s7], $0x1400  }
0x62: {  	s30 =	simm.s32 $0x4F10;
	p2 =	sne.s32 s0, s4;
	[sflag:s7] =	ssyncset.done $0x0  }
0x63: {  	s0 =	simm.s32 @!p2 $0x9;
	p2 =	por p2, p2;
	[sflag:s7] =	ssyncadd.s32 $0xFFFFEC00  }
0x64: {  	s31 =	simm.s32 $0x190;
	s7 =	simm.s32 $0x4;
	_ =	swait.ge @!p2 [sflag:s0], $0x500  }
0x65: {  	s10 =	smul.u32 $0x5000, s12;
	s7 =	sand.u32 @!p3 $0x3, s7;
	[sflag:s0] =	ssyncset.done @!p2 $0x0  }
0x66: {  	s23 =	sadd.s32 $0x1, s12;
	s8 =	smul.u32 @!p3 $0x5000, s7;
	[sflag:s0] =	ssyncadd.s32 @!p2 $0xFFFFFB00  }
0x67: {  	s9 =	simm.s32 $0x140;
	s10 =	sshrl.u32 s10, $0x2;
	_ =	swait.ge [sflag:s23], $0x1400  }
0x68: {  	s7 =	sadd.s32 @!p3 $0x1, s7;
	s8 =	sshrl.u32 @!p3 s8, $0x2;
	[sflag:s23] =	ssyncset.done $0x0  }
0x69: {  	s0 =	sadd.s32 @!p3 $0x9C40, s8;
	s8 =	simm.s32 @!p3 $0x50;
	[sflag:s23] =	ssyncadd.s32 $0xFFFFEC00  }
0x6a: {  	[tilespmem:s0], [sflag:s7] =	stream.indirect.gather @!p3 [hbm4b:s14+s8], $0x40, s9, s8, $0xb8;
	[tilespmem:$0x1FAE0] =	vst v63  }
0x6b: {  	s12 =	sadd.s32 $0x5, s12;
	s10 =	sadd.s32 $0x9C40, s10;
	s8 =	simm.s32 $0x4EC0  }
0x6c: {  	s0 =	simm.s32 $0x5;
	s7 =	simm.s32 $0x6;
	s9 =	simm.s32 $0x3  }
.LBB2_8:
0x6d: {  	[spmem:s1] =	stream.indirect.scatter.add.f32 [tilespmem:s10], [sflag:s12], $0x40, s8, s22, $0xb8;
	[tilespmem:$0x1FAE0] =	vst v63  }
0x6e: {  	s10 =	smov.u32 s7;
	s12 =	smov.u32 s31  }
0x6f: {  	s13 =	sand.u32 $0x3, s9;
	s15 =	simm.s32 @!p2 $0x50;
	s16 =	simm.s32 @!p2 $0xEC40  }
0x70: {  	s21 =	sand.u32 $0x1, s9;
	s17 =	sxor.u32 $0x2, s13;
	s23 =	smul.u32 $0x5000, s13  }
0x71: {  	s7 =	sadd.s32 $0x1, s7;
	p4 =	sne.s32 s21, s4;
	s17 =	sadd.s32 $0x5, s17  }
0x72: {  	[spmem:s3] =	stream.indirect.scatter.add.f32 @!p2 [tilespmem:s16], [sflag:$0x9], $0x10, s8, s15, $0xb8;
	[tilespmem:$0x1FAE0] =	vst v63  }
0x73: {  	s15 =	simm.s32 @!p4 $0x9;
	s16 =	sshrl.u32 s23, $0x2;
	_ =	swait.ge [sflag:s17], $0x1400  }
0x74: {  	p3 =	sne.s32 s7, $0xFC;
	s8 =	smov.u32 s30;
	[sflag:s17] =	ssyncset.done $0x0  }
0x75: {  	p2 =	por p4, p4;
	[sflag:s17] =	ssyncadd.s32 $0xFFFFEC00  }
0x76: {  	p4 =	sgt.u32 s9, $0xF7;
	s30 =	sadd.s32 $0x50, s30;
	_ =	swait.ge @!p2 [sflag:s15], $0x500  }
0x77: {  	s9 =	sand.u32 @!p4 $0x3, s0;
	s0 =	smov.u32 s10;
	[sflag:s15] =	ssyncset.done @!p2 $0x0  }
0x78: {  	s10 =	sadd.s32 $0x1, s13;
	[sflag:s15] =	ssyncadd.s32 @!p2 $0xFFFFFB00;
	s15 =	smul.u32 @!p4 $0x5000, s9  }
.Ltmp3:
0x79: {  	s9 =	sadd.s32 @!p4 $0x1, s9;
	_ =	swait.ge [sflag:s10], $0x1400;
	(pc) =	sbr.rel @p3 .LBB2_8-.Ltmp3, $4  }
0x7a: {  	s31 =	sadd.s32 $0x50, s31;
	[sflag:s10] =	ssyncset.done $0x0;
	s15 =	sshrl.u32 @!p4 s15, $0x2  }
0x7b: {  	[sflag:s10] =	ssyncadd.s32 $0xFFFFEC00;
	s10 =	sadd.s32 @!p4 $0x9C40, s15;
	s15 =	simm.s32 @!p4 $0x50  }
0x7c: {  	[tilespmem:s10], [sflag:s9] =	stream.indirect.gather @!p4 [hbm4b:s14+s15], $0x40, s12, s15, $0xb8;
	[tilespmem:$0x1FAE0] =	vst v63  }
0x7d: {  	s9 =	sadd.s32 $0xFFFFFFFE, s0;
	s10 =	sadd.s32 $0x9C40, s16;
	s12 =	sadd.s32 $0x5, s13  }
0x7e: {  	[spmem:s1] =	stream.indirect.scatter.add.f32 [tilespmem:s10], [sflag:s12], $0x40, s8, s22, $0xb8;
	[tilespmem:$0x1FAE0] =	vst v63  }
0x7f: {  	s17 =	sand.u32 $0x3, s9  }
0x80: {  	s7 =	simm.s32 @!p2 $0x50;
	s10 =	simm.s32 @!p2 $0xEC40;
	s21 =	sxor.u32 $0x2, s17  }
0x81: {  	[spmem:s3] =	stream.indirect.scatter.add.f32 @!p2 [tilespmem:s10], [sflag:$0x9], $0x10, s8, s7, $0xb8;
	[tilespmem:$0x1FAE0] =	vst v63  }
0x82: {  	s8 =	sadd.s32 $0x5, s21  }
0x83: {  	s23 =	sand.u32 $0x1, s9;
	_ =	swait.ge [sflag:s8], $0x1400  }
0x84: {  	p2 =	sne.s32 s23, s4;
	[sflag:s8] =	ssyncset.done $0x0  }
0x85: {  	s10 =	simm.s32 @!p2 $0x9;
	p2 =	por p2, p2;
	[sflag:s8] =	ssyncadd.s32 $0xFFFFEC00  }
0x86: {  	p3 =	sgt.u32 s9, $0xF7;
	_ =	swait.ge @!p2 [sflag:s10], $0x500  }
0x87: {  	s0 =	sand.u32 @!p3 $0x3, s0;
	s13 =	smul.u32 $0x5000, s17;
	[sflag:s10] =	ssyncset.done @!p2 $0x0  }
0x88: {  	s12 =	sadd.s32 $0x1, s17;
	s9 =	smul.u32 @!p3 $0x5000, s0;
	[sflag:s10] =	ssyncadd.s32 @!p2 $0xFFFFFB00  }
0x89: {  	s0 =	sadd.s32 @!p3 $0x1, s0;
	_ =	swait.ge [sflag:s12], $0x1400  }
0x8a: {  	s15 =	sshrl.u32 s13, $0x2;
	s9 =	sshrl.u32 @!p3 s9, $0x2;
	[sflag:s12] =	ssyncset.done $0x0  }
0x8b: {  	s8 =	sadd.s32 @!p3 $0x9C40, s9;
	s9 =	simm.s32 @!p3 $0x50;
	[sflag:s12] =	ssyncadd.s32 $0xFFFFEC00  }
0x8c: {  	[tilespmem:s8], [sflag:s0] =	stream.indirect.gather @!p3 [hbm4b:s14+s9], $0x40, s31, s9, $0xb8;
	[tilespmem:$0x1FAE0] =	vst v63  }
0x8d: {  	s7 =	sadd.s32 $0x5, s17;
	s0 =	sadd.s32 $0x9C40, s15  }
0x8e: {  	[spmem:s1] =	stream.indirect.scatter.add.f32 [tilespmem:s0], [sflag:s7], $0x40, s30, s22, $0xb8;
	[tilespmem:$0x1FAE0] =	vst v63  }
0x8f: {  	s0 =	simm.s32 @!p2 $0x50;
	s7 =	simm.s32 @!p2 $0xEC40  }
0x90: {  	[spmem:s3] =	stream.indirect.scatter.add.f32 @!p2 [tilespmem:s7], [sflag:$0x9], $0x10, s30, s0, $0xb8;
	[tilespmem:$0x1FAE0] =	vst v63  }
0x91: {  	_ =	swait.ge [sflag:s20], $0x1400  }
0x92: {  	[sflag:s20] =	ssyncset.done $0x0  }
0x93: {  	[sflag:s20] =	ssyncadd.s32 $0xFFFFEC00  }
0x94: {  	_ =	swait.ge [sflag:s2], $0x1400  }
0x95: {  	[sflag:s2] =	ssyncset.done $0x0  }
0x96: {  	[sflag:s2] =	ssyncadd.s32 $0xFFFFEC00  }
0x97: {  	_ =	swait.ge [sflag:s26], $0x500  }
0x98: {  	[sflag:s26] =	ssyncset.done $0x0  }
0x99: {  	s16 =	stileid.u32;
	[sflag:s26] =	ssyncadd.s32 $0xFFFFFB00  }
0x9a: {  	s0 =	sshll.u32 s16, $0x6;
	[bflag:$0x0] =	sbarrier.arrive $0xFFFF  }
0x9b: {  	s17 =	sshrl.u32 s6, $0x3;
	s0 =	sor.u32 $0x1C0A, s0;
	s21 =	rddreg [dreg:$0xa]  }
0x9c: {  	[hbm:s21], [sflag:s0] =	dma.local [spmem:s17], $0x1388  }
0x9d: {  	_ =	swait.ge [sflag:s19], $0x1388  }
0x9e: {  	[sflag:s19] =	ssyncset.done $0x0  }
0x9f: {  	s23 =	sshrl.u32 s11, $0x3;
	s30 =	rddreg [dreg:$0xb];
	[sflag:s19] =	ssyncadd.s32 $0xFFFFEC78  }
0xa0: {  	[hbm:s30], [sflag:s0] =	dma.local [spmem:s23], $0x4E2  }
0xa1: {  	_ =	swait.ge [sflag:s19], $0x4E2  }
0xa2: {  	s28 =	sadd.s32 $0x1, s28;
	s31 =	rddreg [dreg:$0xc]  }
0xa3: {  	p2 =	sne.s32 s28, s31  }
.Ltmp4:
0xa4: {  	_ = 	snop;
	(pc) =	sbr.rel @p2 .LBB2_1-.Ltmp4, $3  }
0xa5: {  	_ =	sdelay $0x1  }
0xa6: {  	[sflag:s19] =	ssyncset.done $0x0  }
0xa7: {  	[sflag:s19] =	ssyncadd.s32 $0xFFFFFB1E  }
0xa8: {  	_ =	sfence.sel $0x180000  }
0xa9: {  	[bflag:$0x0] =	sbarrier.arrive $0xFFFF  }
0xaa: {  	_ =	strace $0x90000047  }
0xab: {  	s0 =	stileid.u32;
	[bflag:$0x2] =	sbarrier.arrive $0xFFFF  }
0xac: {  	p0 =	sne.s32 s0, $0x0;
	s0 =	rddreg [dreg:$0x3]  }
0xad: {  	s0 =	sadd.s32 @!p0 $0x100000, s0  }
0xae: {  	[sflag:s0] =	ssyncadd.tile.s32 @!p0 $0x1;
	_ =	shalt  }
.Lfunc_end2:
_tile_overlayer_lowered:
.L_overlay_start_2:
0xaf: {  	(tag) =	ssettag $0x2  }
0xb0: {  	s0 =	rddreg [dreg:$0x0];
	s2 =	stileid.u32  }
0xb1: {  	s1 =	rddreg [dreg:$0x1];
	p0 =	sne.s32 s2, $0x0  }
0xb2: {  	s3 =	rddreg [dreg:$0x2];
	[bflag:$0x3] =	sbarrier.arrive $0xFFFF;
	s2 =	simm.s32 @!p0 $0x1C0A  }
0xb3: {  	[timem:s3], [sflag:s2] =	dma.local @!p0 [hbm:s0], s1  }
0xb4: {  	s0 =	simm.s32 @!p0 $0xA  }
0xb5: {  	_ =	swait.ge @!p0 [sflag:s0], s1  }
0xb6: {  	s1 =	ssub.s32 @!p0 $0x0, s1;
	[sflag:s0] =	ssyncset.done @!p0 $0x0  }
0xb7: {  	[sflag:s0] =	ssyncadd.s32 @!p0 s1  }
0xb8: {  	[bflag:$0x3] =	sbarrier.arrive $0xFFFF  }
0xb9: {  	_ =	shalt  }

</sc_bundles>
